<compile_context>
chip_gen: v7x
topology: tpu7x:2x2x1
jax: 0.10.2.dev20260603
libtpu: 0.0.44.dev20260713+nightly
codegen_flags: <defaults>
</compile_context>

<pallas_src>
import functools

import jax
import jax.numpy as jnp
from jax import lax
from jax.experimental import pallas as pl
from jax.experimental.pallas import tpu as pltpu
from jax.experimental.pallas import tpu_sc as plsc

N = 10000
E = 320000
D = 128

NC = 2
NS = 16
NW = NC * NS
CH = 128
ACH0 = 152
ACH1 = 8
TCH = NS * (ACH0 + ACH1)
EPAD = TCH * CH
NP = 10240
RPT = NP // NS
SCH = 8
BLK = 1000


def _make_sc_agg(with_cnt):
    mesh = plsc.VectorSubcoreMesh(core_axis_name="c", subcore_axis_name="s")
    out_type = [jax.ShapeDtypeStruct((NC, NP, D), jnp.float32)]
    if with_cnt:
        out_type.append(jax.ShapeDtypeStruct((NC, NP), jnp.float32))

    def body(table_hbm, srcs_hbm, dsts_hbm, agg_out, *rest):
        if with_cnt:
            cnt_out = rest[0]
            rest = rest[1:]
        (agg_sh, cnt_sh, src_v, dst_v, rows0, rows1, ones_v, zcnt_v,
         gsem0, gsem1, ssem0, ssem1, csem) = rest
        cid = lax.axis_index("c")
        sid = lax.axis_index("s")
        my_nch = jnp.where(cid == 0, ACH0, ACH1)
        my_base = jnp.where(cid == 0, sid * ACH0, NS * ACH0 + sid * ACH1)

        zero16 = jnp.zeros((16,), jnp.float32)
        one16 = jnp.ones((16,), jnp.float32)

        def zrow(r, _):
            def zcol(c2, _):
                rows0[r, pl.ds(c2 * 16, 16)] = zero16
                return 0
            return lax.fori_loop(0, D // 16, zcol, 0, unroll=False)
        lax.fori_loop(0, CH, zrow, 0, unroll=False)

        def ofill(i, _):
            ones_v[pl.ds(i * 16, 16)] = one16
            return 0
        lax.fori_loop(0, CH // 16, ofill, 0, unroll=False)

        def zcfill(i, _):
            zcnt_v[pl.ds(i * 16, 16)] = zero16
            return 0
        lax.fori_loop(0, RPT // 16, zcfill, 0, unroll=False)

        base = sid * RPT
        for k in range(RPT // CH):
            pltpu.sync_copy(rows0, agg_sh.at[pl.ds(base + k * CH, CH)])
        pltpu.sync_copy(zcnt_v, cnt_sh.at[pl.ds(base, RPT)])
        plsc.subcore_barrier()

        def step(jj, _):
            j0 = jj * 2
            j1 = j0 + 1
            pltpu.make_async_copy(table_hbm.at[src_v.at[j0]], rows0, gsem0).wait()
            pltpu.async_copy(rows0, agg_sh.at[dst_v.at[j0]], ssem0, add=True)
            if with_cnt:
                pltpu.async_copy(ones_v, cnt_sh.at[dst_v.at[j0]], csem, add=True)
            pltpu.make_async_copy(table_hbm.at[src_v.at[j1]], rows1, gsem1).wait()

            @pl.when(j0 + 2 < SCH)
            def _():
                pltpu.make_async_copy(rows0, agg_sh.at[dst_v.at[j0]], ssem0).wait()
                pltpu.async_copy(table_hbm.at[src_v.at[j0 + 2]], rows0, gsem0)

            pltpu.async_copy(rows1, agg_sh.at[dst_v.at[j1]], ssem1, add=True)
            if with_cnt:
                pltpu.async_copy(ones_v, cnt_sh.at[dst_v.at[j1]], csem, add=True)

            @pl.when(j1 + 2 < SCH)
            def _():
                pltpu.make_async_copy(rows1, agg_sh.at[dst_v.at[j1]], ssem1).wait()
                pltpu.async_copy(table_hbm.at[src_v.at[j1 + 2]], rows1, gsem1)
            return 0

        def phase_body(ph, _):
            pltpu.sync_copy(
                srcs_hbm.at[pl.ds(my_base + ph * SCH, SCH)], src_v)
            pltpu.sync_copy(
                dsts_hbm.at[pl.ds(my_base + ph * SCH, SCH)], dst_v)
            pltpu.async_copy(table_hbm.at[src_v.at[0]], rows0, gsem0)
            pltpu.async_copy(table_hbm.at[src_v.at[1]], rows1, gsem1)
            lax.fori_loop(0, SCH // 2, step, 0)
            pltpu.make_async_copy(rows0, agg_sh.at[dst_v.at[0]], ssem0).wait()
            pltpu.make_async_copy(rows1, agg_sh.at[dst_v.at[1]], ssem1).wait()
            if with_cnt:
                pltpu.make_async_copy(
                    srcs_hbm.at[pl.ds(0, SCH)], src_v, csem).wait()
            return 0
        lax.fori_loop(0, my_nch // SCH, phase_body, 0)
        plsc.subcore_barrier()

        pltpu.sync_copy(agg_sh.at[pl.ds(base, RPT)],
                        agg_out.at[cid, pl.ds(base, RPT)])
        if with_cnt:
            pltpu.sync_copy(cnt_sh.at[pl.ds(base, RPT)],
                            cnt_out.at[cid, pl.ds(base, RPT)])

    return pl.kernel(
        body,
        out_type=out_type,
        mesh=mesh,
        scratch_types=[
            pltpu.VMEM_SHARED((NP, D), jnp.float32),
            pltpu.VMEM_SHARED((NP,), jnp.float32),
            pltpu.VMEM((SCH, CH), jnp.int32),
            pltpu.VMEM((SCH, CH), jnp.int32),
            pltpu.VMEM((CH, D), jnp.float32),
            pltpu.VMEM((CH, D), jnp.float32),
            pltpu.VMEM((CH,), jnp.float32),
            pltpu.VMEM((RPT,), jnp.float32),
            pltpu.SemaphoreType.DMA,
            pltpu.SemaphoreType.DMA,
            pltpu.SemaphoreType.DMA,
            pltpu.SemaphoreType.DMA,
            pltpu.SemaphoreType.DMA,
        ],
        name="sc_segment_mean" + ("_cnt" if with_cnt else ""),
    )


_sc_agg_cnt = _make_sc_agg(True)
_sc_agg = _make_sc_agg(False)


def _make_dense(act):
    def body(agg_ref, cnt_ref, x_ref, wl_ref, wr_ref, b_ref, o_ref):
        a = agg_ref[0] + agg_ref[1]
        c = cnt_ref[:, 0:1] + cnt_ref[:, 1:2]
        inv = 1.0 / jnp.maximum(c, 1.0)
        mean = a * inv
        z = (jnp.dot(mean, wl_ref[...], preferred_element_type=jnp.float32)
             + jnp.dot(x_ref[...], wr_ref[...], preferred_element_type=jnp.float32)
             + b_ref[...])
        if act == "relu":
            o_ref[...] = jnp.maximum(z, 0.0)
        else:
            m = jnp.max(z, axis=1, keepdims=True)
            e = jnp.exp(z - m)
            o_ref[...] = e / jnp.sum(e, axis=1, keepdims=True)

    return pl.pallas_call(
        body,
        grid=(N // BLK,),
        in_specs=[
            pl.BlockSpec((NC, BLK, D), lambda i: (0, i, 0)),
            pl.BlockSpec((BLK, NC), lambda i: (i, 0)),
            pl.BlockSpec((BLK, D), lambda i: (i, 0)),
            pl.BlockSpec((D, D), lambda i: (0, 0)),
            pl.BlockSpec((D, D), lambda i: (0, 0)),
            pl.BlockSpec((1, D), lambda i: (0, 0)),
        ],
        out_specs=pl.BlockSpec((BLK, D), lambda i: (i, 0)),
        out_shape=jax.ShapeDtypeStruct((N, D), jnp.float32),
        name="sage_dense_" + act,
    )


_dense_relu = _make_dense("relu")
_dense_softmax = _make_dense("softmax")


@jax.jit
def kernel(x, edge_index, W1l, b1l, W1r, W2l, b2l, W2r):
    src = edge_index[0].astype(jnp.int32)
    dst = edge_index[1].astype(jnp.int32)
    npad = EPAD - E
    src = jnp.concatenate([src, jnp.zeros((npad,), jnp.int32)])
    pad_dst = N + (jnp.arange(npad, dtype=jnp.int32) % (NP - N))
    dst = jnp.concatenate([dst, pad_dst])
    srcs = src.reshape(TCH, CH)
    dsts = dst.reshape(TCH, CH)

    agg1, cnt = _sc_agg_cnt(x, srcs, dsts)
    cnt_t = cnt.T
    h = _dense_relu(agg1, cnt_t, x, W1l.T, W1r.T, b1l.reshape(1, D))
    agg2 = _sc_agg(h, srcs, dsts)[0]
    out = _dense_softmax(agg2, cnt_t, h, W2l.T, W2r.T, b2l.reshape(1, D))
    return out

# --- scband reference (transcript-rebuilt; emitter-appended) ---
"""Pipeline reference for scband-gnn-18580028522678 (READ-ONLY COPY).

The authoritative reference and input builder live on the scoring server;
editing this copy changes nothing except your own understanding.
"""

import jax, jax.numpy as jnp
import numpy as np

N_NODES = 10000
N_EDGES = 320000
D = 128

def setup_inputs(seed: int = 0) -> dict:
    key = jax.random.key(seed)
    ks = jax.random.split(key, 10)
    x = jax.random.normal(ks[0], (N_NODES, D), dtype=jnp.float32)
    edge_index = jax.random.randint(ks[1], (2, N_EDGES), 0, N_NODES, dtype=jnp.int64)
    s = 1.0 / np.sqrt(D)
    W1l = jax.random.uniform(ks[2], (D, D), jnp.float32, -s, s)
    b1l = jax.random.uniform(ks[3], (D,), jnp.float32, -s, s)
    W1r = jax.random.uniform(ks[4], (D, D), jnp.float32, -s, s)
    W2l = jax.random.uniform(ks[5], (D, D), jnp.float32, -s, s)
    b2l = jax.random.uniform(ks[6], (D,), jnp.float32, -s, s)
    W2r = jax.random.uniform(ks[7], (D, D), jnp.float32, -s, s)
    return {"x": x, "edge_index": edge_index, "W1l": W1l, "b1l": b1l, "W1r": W1r, "W2l": W2l, "b2l": b2l, "W2r": W2r}

def _sage_conv(x, edge_index, Wl, bl, Wr):
    # PyG SAGEConv with aggr='mean': out = lin_l(mean_{j in N(i)} x_j) + lin_r(x_i)
    src = edge_index[0]
    dst = edge_index[1]
    msg = jnp.take(x, src, axis=0)
    agg = jax.ops.segment_sum(msg, dst, num_segments=x.shape[0])
    cnt = jax.ops.segment_sum(jnp.ones((edge_index.shape[1],), dtype=x.dtype), dst, num_segments=x.shape[0])
    mean = agg / jnp.maximum(cnt, 1.0)[:, None]
    return mean @ Wl.T + bl + x @ Wr.T

def reference(x, edge_index, W1l, b1l, W1r, W2l, b2l, W2r):
    # Layer 1: SAGEConv + relu (+ dropout, identity in eval mode)
    h = _sage_conv(x, edge_index, W1l, b1l, W1r)
    h = jax.nn.relu(h)
    # Layer 2: SAGEConv
    out = _sage_conv(h, edge_index, W2l, b2l, W2r)
    # last_layer == 'softmax'
    return jax.nn.softmax(out, axis=1)

if __name__ == "__main__":
    import jax
    _d = setup_inputs()
    print(jax.jit(kernel)(*tuple(_d.values())))

</pallas_src>

<mosaic_0001>
#map = affine_map<(d0, d1) -> (0, 0)>
#map1 = affine_map<(d0, d1) -> (0, 0, 0)>
module attributes {stable_mosaic.version = 14 : i64} {
  func.func @sc_segment_mean_cnt(%arg0: i32, %arg1: i32, %arg2: memref<10000x128xf32, #tpu.memory_space<hbm>>, %arg3: memref<2560x128xi32, #tpu.memory_space<hbm>>, %arg4: memref<2560x128xi32, #tpu.memory_space<hbm>>, %arg5: memref<2x10240x128xf32, #tpu.memory_space<hbm>>, %arg6: memref<2x10240xf32, #tpu.memory_space<hbm>>, %arg7: memref<10240x128xf32, #tpu.memory_space<vmem_shared>>, %arg8: memref<10240xf32, #tpu.memory_space<vmem_shared>>, %arg9: memref<8x128xi32, #tpu.memory_space<vmem>>, %arg10: memref<8x128xi32, #tpu.memory_space<vmem>>, %arg11: memref<128x128xf32, #tpu.memory_space<vmem>>, %arg12: memref<128x128xf32, #tpu.memory_space<vmem>>, %arg13: memref<128xf32, #tpu.memory_space<vmem>>, %arg14: memref<640xf32, #tpu.memory_space<vmem>>, %arg15: memref<!tpu.dma_semaphore, #tpu.memory_space<semaphore_mem>>, %arg16: memref<!tpu.dma_semaphore, #tpu.memory_space<semaphore_mem>>, %arg17: memref<!tpu.dma_semaphore, #tpu.memory_space<semaphore_mem>>, %arg18: memref<!tpu.dma_semaphore, #tpu.memory_space<semaphore_mem>>, %arg19: memref<!tpu.dma_semaphore, #tpu.memory_space<semaphore_mem>>) attributes {dimension_semantics = [#tpu.dimension_semantics<core_parallel>, #tpu.dimension_semantics<subcore_parallel>], iteration_bounds = array<i64: 2, 16>, scalar_prefetch = 0 : i64, scratch_operands = 13 : i64, tpu.core_type = #tpu.core_type<sc_vector_subcore>, window_params = [{transform_indices = #map}, {transform_indices = #map}, {transform_indices = #map}, {transform_indices = #map1}, {transform_indices = #map}]} {
    %eq3A = arith.constant 0 : i32
    %eq3A_0 = arith.cmpi eq, %arg0, %eq3A : i32
    %jit3A = arith.constant 152 : i32
    %jit3A_1 = arith.constant 8 : i32
    %select_n3A = arith.select %eq3A_0, %jit3A, %jit3A_1 : i32
    %eq3A_2 = arith.constant 0 : i32
    %eq3A_3 = arith.cmpi eq, %arg0, %eq3A_2 : i32
    %mul3A = arith.constant 152 : i32
    %mul3A_4 = arith.muli %arg1, %mul3A : i32
    %mul3A_5 = arith.constant 8 : i32
    %mul3A_6 = arith.muli %arg1, %mul3A_5 : i32
    %add3A = arith.constant 2432 : i32
    %add3A_7 = arith.addi %add3A, %mul3A_6 : i32
    %select_n3A_8 = arith.select %eq3A_3, %mul3A_4, %add3A_7 : i32
    %broadcast_in_dim3A = arith.constant 0.000000e+00 : f32
    %broadcast_in_dim3A_9 = vector.broadcast %broadcast_in_dim3A : f32 to vector<16xf32>
    %broadcast_in_dim3A_10 = arith.constant 1.000000e+00 : f32
    %broadcast_in_dim3A_11 = vector.broadcast %broadcast_in_dim3A_10 : f32 to vector<16xf32>
    %scan3A = arith.constant 0 : i32
    %scan3A_12 = arith.constant 0 : i32
    %scan3A_13 = arith.constant 128 : i32
    %scan3A_14 = arith.addi %scan3A_12, %scan3A_13 : i32
    %scan3A_15 = arith.constant 1 : i32
    %scan3A_16 = scf.for %scan3A_74 = %scan3A_12 to %scan3A_14 step %scan3A_15 iter_args(%scan3A_75 = %scan3A) -> (i32)  : i32 {
      %scan3A_76 = arith.constant 0 : i32
      %scan3A_77 = arith.constant 0 : i32
      %scan3A_78 = arith.constant 8 : i32
      %scan3A_79 = arith.addi %scan3A_77, %scan3A_78 : i32
      %scan3A_80 = arith.constant 1 : i32
      %scan3A_81 = scf.for %scan3A_83 = %scan3A_77 to %scan3A_79 step %scan3A_80 iter_args(%scan3A_84 = %scan3A_76) -> (i32)  : i32 {
        %mul3A_85 = arith.constant 16 : i32
        %mul3A_86 = arith.muli %scan3A_83, %mul3A_85 : i32
        %swap3A = arith.index_cast %scan3A_74 : i32 to index
        %swap3A_87 = arith.index_cast %mul3A_86 : i32 to index
        %swap3A_88 = tpu.vector_load %arg11[%swap3A, %swap3A_87] {strides = array<i32>} : memref<128x128xf32, #tpu.memory_space<vmem>>, vector<1x16xf32>,
        %swap3A_89 = vector.shape_cast %swap3A_88 : vector<1x16xf32> to vector<16xf32>
        %swap3A_90 = vector.shape_cast %broadcast_in_dim3A_9 : vector<16xf32> to vector<1x16xf32>
        tpu.vector_store %arg11[%swap3A, %swap3A_87], %swap3A_90 {strides = array<i32>} : memref<128x128xf32, #tpu.memory_space<vmem>>, vector<1x16xf32>,
        %scan3A_91 = arith.constant 0 : i32
        scf.yield %scan3A_91 : i32
      }
      %scan3A_82 = arith.constant 8 : i32
      scf.yield %scan3A_81 : i32
    }
    %scan3A_17 = arith.constant 128 : i32
    %scan3A_18 = arith.constant 0 : i32
    %scan3A_19 = arith.constant 0 : i32
    %scan3A_20 = arith.constant 8 : i32
    %scan3A_21 = arith.addi %scan3A_19, %scan3A_20 : i32
    %scan3A_22 = arith.constant 1 : i32
    %scan3A_23 = scf.for %scan3A_74 = %scan3A_19 to %scan3A_21 step %scan3A_22 iter_args(%scan3A_75 = %scan3A_18) -> (i32)  : i32 {
      %mul3A_76 = arith.constant 16 : i32
      %mul3A_77 = arith.muli %scan3A_74, %mul3A_76 : i32
      %swap3A = arith.index_cast %mul3A_77 : i32 to index
      %swap3A_78 = tpu.vector_load %arg13[%swap3A] {strides = array<i32>} : memref<128xf32, #tpu.memory_space<vmem>>, vector<16xf32>,
      %swap3A_79 = vector.shape_cast %swap3A_78 : vector<16xf32> to vector<16xf32>
      %swap3A_80 = vector.shape_cast %broadcast_in_dim3A_11 : vector<16xf32> to vector<16xf32>
      tpu.vector_store %arg13[%swap3A], %swap3A_80 {strides = array<i32>} : memref<128xf32, #tpu.memory_space<vmem>>, vector<16xf32>,
      %scan3A_81 = arith.constant 0 : i32
      scf.yield %scan3A_81 : i32
    }
    %scan3A_24 = arith.constant 8 : i32
    %scan3A_25 = arith.constant 0 : i32
    %scan3A_26 = arith.constant 0 : i32
    %scan3A_27 = arith.constant 40 : i32
    %scan3A_28 = arith.addi %scan3A_26, %scan3A_27 : i32
    %scan3A_29 = arith.constant 1 : i32
    %scan3A_30 = scf.for %scan3A_74 = %scan3A_26 to %scan3A_28 step %scan3A_29 iter_args(%scan3A_75 = %scan3A_25) -> (i32)  : i32 {
      %mul3A_76 = arith.constant 16 : i32
      %mul3A_77 = arith.muli %scan3A_74, %mul3A_76 : i32
      %swap3A = arith.index_cast %mul3A_77 : i32 to index
      %swap3A_78 = tpu.vector_load %arg14[%swap3A] {strides = array<i32>} : memref<640xf32, #tpu.memory_space<vmem>>, vector<16xf32>,
      %swap3A_79 = vector.shape_cast %swap3A_78 : vector<16xf32> to vector<16xf32>
      %swap3A_80 = vector.shape_cast %broadcast_in_dim3A_9 : vector<16xf32> to vector<16xf32>
      tpu.vector_store %arg14[%swap3A], %swap3A_80 {strides = array<i32>} : memref<640xf32, #tpu.memory_space<vmem>>, vector<16xf32>,
      %scan3A_81 = arith.constant 0 : i32
      scf.yield %scan3A_81 : i32
    }
    %scan3A_31 = arith.constant 40 : i32
    %mul3A_32 = arith.constant 640 : i32
    %mul3A_33 = arith.muli %arg1, %mul3A_32 : i32
    %add3A_34 = arith.constant 0 : i32
    %add3A_35 = arith.addi %mul3A_33, %add3A_34 : i32
    "tpu.region"() ({
      %run_scoped3A = tpu.sem_alloc : memref<!tpu.dma_semaphore, #tpu.memory_space<semaphore_mem>>
      %dma_start3A = arith.constant 0 : i32
      %dma_start3A_74 = tpu.memref_slice %arg7[%add3A_35, %dma_start3A] : memref<10240x128xf32, #tpu.memory_space<vmem_shared>> -> memref<128x128xf32, #tpu.memory_space<vmem_shared>>
      %dma_start3A_75 = arith.constant 0 : i32
      %dma_start3A_76 = tpu.memref_slice %arg7[%add3A_35, %dma_start3A_75] : memref<10240x128xf32, #tpu.memory_space<vmem_shared>> -> memref<128x128xf32, #tpu.memory_space<vmem_shared>>
      tpu.enqueue_dma source(%arg11 : memref<128x128xf32, #tpu.memory_space<vmem>>) target(%dma_start3A_76 : memref<128x128xf32, #tpu.memory_space<vmem_shared>>) target_semaphore(%run_scoped3A : memref<!tpu.dma_semaphore, #tpu.memory_space<semaphore_mem>>)
      %dma_wait3A = arith.constant 0 : i32
      %dma_wait3A_77 = tpu.memref_slice %arg7[%add3A_35, %dma_wait3A] : memref<10240x128xf32, #tpu.memory_space<vmem_shared>> -> memref<128x128xf32, #tpu.memory_space<vmem_shared>>
      %dma_wait3A_78 = arith.constant 0 : i32
      %dma_wait3A_79 = tpu.memref_slice %arg7[%add3A_35, %dma_wait3A_78] : memref<10240x128xf32, #tpu.memory_space<vmem_shared>> -> memref<128x128xf32, #tpu.memory_space<vmem_shared>>
      tpu.wait_dma2 semaphore(%run_scoped3A : memref<!tpu.dma_semaphore, #tpu.memory_space<semaphore_mem>>) src(%arg11 : memref<128x128xf32, #tpu.memory_space<vmem>>) dst(%dma_wait3A_79 : memref<128x128xf32, #tpu.memory_space<vmem_shared>>)
      tpu.yield
    }) : () -> ()
    %add3A_36 = arith.constant 128 : i32
    %add3A_37 = arith.addi %mul3A_33, %add3A_36 : i32
    "tpu.region"() ({
      %run_scoped3A = tpu.sem_alloc : memref<!tpu.dma_semaphore, #tpu.memory_space<semaphore_mem>>
      %dma_start3A = arith.constant 0 : i32
      %dma_start3A_74 = tpu.memref_slice %arg7[%add3A_37, %dma_start3A] : memref<10240x128xf32, #tpu.memory_space<vmem_shared>> -> memref<128x128xf32, #tpu.memory_space<vmem_shared>>
      %dma_start3A_75 = arith.constant 0 : i32
      %dma_start3A_76 = tpu.memref_slice %arg7[%add3A_37, %dma_start3A_75] : memref<10240x128xf32, #tpu.memory_space<vmem_shared>> -> memref<128x128xf32, #tpu.memory_space<vmem_shared>>
      tpu.enqueue_dma source(%arg11 : memref<128x128xf32, #tpu.memory_space<vmem>>) target(%dma_start3A_76 : memref<128x128xf32, #tpu.memory_space<vmem_shared>>) target_semaphore(%run_scoped3A : memref<!tpu.dma_semaphore, #tpu.memory_space<semaphore_mem>>)
      %dma_wait3A = arith.constant 0 : i32
      %dma_wait3A_77 = tpu.memref_slice %arg7[%add3A_37, %dma_wait3A] : memref<10240x128xf32, #tpu.memory_space<vmem_shared>> -> memref<128x128xf32, #tpu.memory_space<vmem_shared>>
      %dma_wait3A_78 = arith.constant 0 : i32
      %dma_wait3A_79 = tpu.memref_slice %arg7[%add3A_37, %dma_wait3A_78] : memref<10240x128xf32, #tpu.memory_space<vmem_shared>> -> memref<128x128xf32, #tpu.memory_space<vmem_shared>>
      tpu.wait_dma2 semaphore(%run_scoped3A : memref<!tpu.dma_semaphore, #tpu.memory_space<semaphore_mem>>) src(%arg11 : memref<128x128xf32, #tpu.memory_space<vmem>>) dst(%dma_wait3A_79 : memref<128x128xf32, #tpu.memory_space<vmem_shared>>)
      tpu.yield
    }) : () -> ()
    %add3A_38 = arith.constant 256 : i32
    %add3A_39 = arith.addi %mul3A_33, %add3A_38 : i32
    "tpu.region"() ({
      %run_scoped3A = tpu.sem_alloc : memref<!tpu.dma_semaphore, #tpu.memory_space<semaphore_mem>>
      %dma_start3A = arith.constant 0 : i32
      %dma_start3A_74 = tpu.memref_slice %arg7[%add3A_39, %dma_start3A] : memref<10240x128xf32, #tpu.memory_space<vmem_shared>> -> memref<128x128xf32, #tpu.memory_space<vmem_shared>>
      %dma_start3A_75 = arith.constant 0 : i32
      %dma_start3A_76 = tpu.memref_slice %arg7[%add3A_39, %dma_start3A_75] : memref<10240x128xf32, #tpu.memory_space<vmem_shared>> -> memref<128x128xf32, #tpu.memory_space<vmem_shared>>
      tpu.enqueue_dma source(%arg11 : memref<128x128xf32, #tpu.memory_space<vmem>>) target(%dma_start3A_76 : memref<128x128xf32, #tpu.memory_space<vmem_shared>>) target_semaphore(%run_scoped3A : memref<!tpu.dma_semaphore, #tpu.memory_space<semaphore_mem>>)
      %dma_wait3A = arith.constant 0 : i32
      %dma_wait3A_77 = tpu.memref_slice %arg7[%add3A_39, %dma_wait3A] : memref<10240x128xf32, #tpu.memory_space<vmem_shared>> -> memref<128x128xf32, #tpu.memory_space<vmem_shared>>
      %dma_wait3A_78 = arith.constant 0 : i32
      %dma_wait3A_79 = tpu.memref_slice %arg7[%add3A_39, %dma_wait3A_78] : memref<10240x128xf32, #tpu.memory_space<vmem_shared>> -> memref<128x128xf32, #tpu.memory_space<vmem_shared>>
      tpu.wait_dma2 semaphore(%run_scoped3A : memref<!tpu.dma_semaphore, #tpu.memory_space<semaphore_mem>>) src(%arg11 : memref<128x128xf32, #tpu.memory_space<vmem>>) dst(%dma_wait3A_79 : memref<128x128xf32, #tpu.memory_space<vmem_shared>>)
      tpu.yield
    }) : () -> ()
    %add3A_40 = arith.constant 384 : i32
    %add3A_41 = arith.addi %mul3A_33, %add3A_40 : i32
    "tpu.region"() ({
      %run_scoped3A = tpu.sem_alloc : memref<!tpu.dma_semaphore, #tpu.memory_space<semaphore_mem>>
      %dma_start3A = arith.constant 0 : i32
      %dma_start3A_74 = tpu.memref_slice %arg7[%add3A_41, %dma_start3A] : memref<10240x128xf32, #tpu.memory_space<vmem_shared>> -> memref<128x128xf32, #tpu.memory_space<vmem_shared>>
      %dma_start3A_75 = arith.constant 0 : i32
      %dma_start3A_76 = tpu.memref_slice %arg7[%add3A_41, %dma_start3A_75] : memref<10240x128xf32, #tpu.memory_space<vmem_shared>> -> memref<128x128xf32, #tpu.memory_space<vmem_shared>>
      tpu.enqueue_dma source(%arg11 : memref<128x128xf32, #tpu.memory_space<vmem>>) target(%dma_start3A_76 : memref<128x128xf32, #tpu.memory_space<vmem_shared>>) target_semaphore(%run_scoped3A : memref<!tpu.dma_semaphore, #tpu.memory_space<semaphore_mem>>)
      %dma_wait3A = arith.constant 0 : i32
      %dma_wait3A_77 = tpu.memref_slice %arg7[%add3A_41, %dma_wait3A] : memref<10240x128xf32, #tpu.memory_space<vmem_shared>> -> memref<128x128xf32, #tpu.memory_space<vmem_shared>>
      %dma_wait3A_78 = arith.constant 0 : i32
      %dma_wait3A_79 = tpu.memref_slice %arg7[%add3A_41, %dma_wait3A_78] : memref<10240x128xf32, #tpu.memory_space<vmem_shared>> -> memref<128x128xf32, #tpu.memory_space<vmem_shared>>
      tpu.wait_dma2 semaphore(%run_scoped3A : memref<!tpu.dma_semaphore, #tpu.memory_space<semaphore_mem>>) src(%arg11 : memref<128x128xf32, #tpu.memory_space<vmem>>) dst(%dma_wait3A_79 : memref<128x128xf32, #tpu.memory_space<vmem_shared>>)
      tpu.yield
    }) : () -> ()
    %add3A_42 = arith.constant 512 : i32
    %add3A_43 = arith.addi %mul3A_33, %add3A_42 : i32
    "tpu.region"() ({
      %run_scoped3A = tpu.sem_alloc : memref<!tpu.dma_semaphore, #tpu.memory_space<semaphore_mem>>
      %dma_start3A = arith.constant 0 : i32
      %dma_start3A_74 = tpu.memref_slice %arg7[%add3A_43, %dma_start3A] : memref<10240x128xf32, #tpu.memory_space<vmem_shared>> -> memref<128x128xf32, #tpu.memory_space<vmem_shared>>
      %dma_start3A_75 = arith.constant 0 : i32
      %dma_start3A_76 = tpu.memref_slice %arg7[%add3A_43, %dma_start3A_75] : memref<10240x128xf32, #tpu.memory_space<vmem_shared>> -> memref<128x128xf32, #tpu.memory_space<vmem_shared>>
      tpu.enqueue_dma source(%arg11 : memref<128x128xf32, #tpu.memory_space<vmem>>) target(%dma_start3A_76 : memref<128x128xf32, #tpu.memory_space<vmem_shared>>) target_semaphore(%run_scoped3A : memref<!tpu.dma_semaphore, #tpu.memory_space<semaphore_mem>>)
      %dma_wait3A = arith.constant 0 : i32
      %dma_wait3A_77 = tpu.memref_slice %arg7[%add3A_43, %dma_wait3A] : memref<10240x128xf32, #tpu.memory_space<vmem_shared>> -> memref<128x128xf32, #tpu.memory_space<vmem_shared>>
      %dma_wait3A_78 = arith.constant 0 : i32
      %dma_wait3A_79 = tpu.memref_slice %arg7[%add3A_43, %dma_wait3A_78] : memref<10240x128xf32, #tpu.memory_space<vmem_shared>> -> memref<128x128xf32, #tpu.memory_space<vmem_shared>>
      tpu.wait_dma2 semaphore(%run_scoped3A : memref<!tpu.dma_semaphore, #tpu.memory_space<semaphore_mem>>) src(%arg11 : memref<128x128xf32, #tpu.memory_space<vmem>>) dst(%dma_wait3A_79 : memref<128x128xf32, #tpu.memory_space<vmem_shared>>)
      tpu.yield
    }) : () -> ()
    "tpu.region"() ({
      %run_scoped3A = tpu.sem_alloc : memref<!tpu.dma_semaphore, #tpu.memory_space<semaphore_mem>>
      %dma_start3A = tpu.memref_slice %arg8[%mul3A_33] : memref<10240xf32, #tpu.memory_space<vmem_shared>> -> memref<640xf32, #tpu.memory_space<vmem_shared>>
      %dma_start3A_74 = tpu.memref_slice %arg8[%mul3A_33] : memref<10240xf32, #tpu.memory_space<vmem_shared>> -> memref<640xf32, #tpu.memory_space<vmem_shared>>
      tpu.enqueue_dma source(%arg14 : memref<640xf32, #tpu.memory_space<vmem>>) target(%dma_start3A_74 : memref<640xf32, #tpu.memory_space<vmem_shared>>) target_semaphore(%run_scoped3A : memref<!tpu.dma_semaphore, #tpu.memory_space<semaphore_mem>>)
      %dma_wait3A = tpu.memref_slice %arg8[%mul3A_33] : memref<10240xf32, #tpu.memory_space<vmem_shared>> -> memref<640xf32, #tpu.memory_space<vmem_shared>>
      %dma_wait3A_75 = tpu.memref_slice %arg8[%mul3A_33] : memref<10240xf32, #tpu.memory_space<vmem_shared>> -> memref<640xf32, #tpu.memory_space<vmem_shared>>
      tpu.wait_dma2 semaphore(%run_scoped3A : memref<!tpu.dma_semaphore, #tpu.memory_space<semaphore_mem>>) src(%arg14 : memref<640xf32, #tpu.memory_space<vmem>>) dst(%dma_wait3A_75 : memref<640xf32, #tpu.memory_space<vmem_shared>>)
      tpu.yield
    }) : () -> ()
    %barrier3A = arith.constant 0 : index
    tpu.barrier barrier_id(%barrier3A)
    %jit3A_44 = arith.constant 8 : i32
    %div3A = arith.divsi %select_n3A, %jit3A_44 : i32
    %sign3A = arith.constant 0 : i32
    %sign3A_45 = arith.cmpi sgt, %select_n3A, %sign3A : i32
    %sign3A_46 = arith.extui %sign3A_45 : i1 to i32
    %sign3A_47 = arith.constant 0 : i32
    %sign3A_48 = arith.cmpi slt, %select_n3A, %sign3A_47 : i32
    %sign3A_49 = arith.extui %sign3A_48 : i1 to i32
    %sign3A_50 = arith.subi %sign3A_46, %sign3A_49 : i32
    %sign3A_51 = arith.constant 0 : i32
    %sign3A_52 = arith.cmpi sgt, %jit3A_44, %sign3A_51 : i32
    %sign3A_53 = arith.extui %sign3A_52 : i1 to i32
    %sign3A_54 = arith.constant 0 : i32
    %sign3A_55 = arith.cmpi slt, %jit3A_44, %sign3A_54 : i32
    %sign3A_56 = arith.extui %sign3A_55 : i1 to i32
    %sign3A_57 = arith.subi %sign3A_53, %sign3A_56 : i32
    %ne3A = arith.cmpi ne, %sign3A_50, %sign3A_57 : i32
    %rem3A = arith.remsi %select_n3A, %jit3A_44 : i32
    %ne3A_58 = arith.constant 0 : i32
    %ne3A_59 = arith.cmpi ne, %rem3A, %ne3A_58 : i32
    %and3A = arith.andi %ne3A, %ne3A_59 : i1
    %sub3A = arith.constant 1 : i32
    %sub3A_60 = arith.subi %div3A, %sub3A : i32
    %select_n3A_61 = arith.select %and3A, %sub3A_60, %div3A : i32
    %while3A = arith.constant 0 : i32
    %while3A_62 = arith.constant 0 : i32
    %while3A_63 = arith.subi %select_n3A_61, %while3A : i32
    %while3A_64 = arith.addi %while3A, %while3A_63 : i32
    %while3A_65 = arith.constant 1 : i32
    %while3A_66 = arith.divsi %while3A_63, %while3A_65 : i32
    %while3A_67 = arith.muli %while3A_66, %while3A_65 : i32
    %while3A_68 = arith.addi %while3A, %while3A_67 : i32
    %while3A_69 = arith.constant 1 : i32
    %while3A_70 = scf.for %while3A_74 = %while3A to %while3A_68 step %while3A_69 iter_args(%while3A_75 = %while3A_62) -> (i32)  : i32 {
      %mul3A_76 = arith.constant 8 : i32
      %mul3A_77 = arith.muli %while3A_74, %mul3A_76 : i32
      %add3A_78 = arith.addi %select_n3A_8, %mul3A_77 : i32
      "tpu.region"() ({
        %run_scoped3A = tpu.sem_alloc : memref<!tpu.dma_semaphore, #tpu.memory_space<semaphore_mem>>
        %dma_start3A_122 = arith.constant 0 : i32
        %dma_start3A_123 = tpu.memref_slice %arg3[%add3A_78, %dma_start3A_122] : memref<2560x128xi32, #tpu.memory_space<hbm>> -> memref<8x128xi32, #tpu.memory_space<hbm>>
        %dma_start3A_124 = arith.constant 0 : i32
        %dma_start3A_125 = tpu.memref_slice %arg3[%add3A_78, %dma_start3A_124] : memref<2560x128xi32, #tpu.memory_space<hbm>> -> memref<8x128xi32, #tpu.memory_space<hbm>>
        tpu.enqueue_dma source(%dma_start3A_125 : memref<8x128xi32, #tpu.memory_space<hbm>>) target(%arg9 : memref<8x128xi32, #tpu.memory_space<vmem>>) target_semaphore(%run_scoped3A : memref<!tpu.dma_semaphore, #tpu.memory_space<semaphore_mem>>)
        %dma_wait3A_126 = arith.constant 0 : i32
        %dma_wait3A_127 = tpu.memref_slice %arg3[%add3A_78, %dma_wait3A_126] : memref<2560x128xi32, #tpu.memory_space<hbm>> -> memref<8x128xi32, #tpu.memory_space<hbm>>
        %dma_wait3A_128 = arith.constant 0 : i32
        %dma_wait3A_129 = tpu.memref_slice %arg3[%add3A_78, %dma_wait3A_128] : memref<2560x128xi32, #tpu.memory_space<hbm>> -> memref<8x128xi32, #tpu.memory_space<hbm>>
        tpu.wait_dma2 semaphore(%run_scoped3A : memref<!tpu.dma_semaphore, #tpu.memory_space<semaphore_mem>>) src(%dma_wait3A_129 : memref<8x128xi32, #tpu.memory_space<hbm>>) dst(%arg9 : memref<8x128xi32, #tpu.memory_space<vmem>>)
        tpu.yield
      }) : () -> ()
      %mul3A_79 = arith.constant 8 : i32
      %mul3A_80 = arith.muli %while3A_74, %mul3A_79 : i32
      %add3A_81 = arith.addi %select_n3A_8, %mul3A_80 : i32
      "tpu.region"() ({
        %run_scoped3A = tpu.sem_alloc : memref<!tpu.dma_semaphore, #tpu.memory_space<semaphore_mem>>
        %dma_start3A_122 = arith.constant 0 : i32
        %dma_start3A_123 = tpu.memref_slice %arg4[%add3A_81, %dma_start3A_122] : memref<2560x128xi32, #tpu.memory_space<hbm>> -> memref<8x128xi32, #tpu.memory_space<hbm>>
        %dma_start3A_124 = arith.constant 0 : i32
        %dma_start3A_125 = tpu.memref_slice %arg4[%add3A_81, %dma_start3A_124] : memref<2560x128xi32, #tpu.memory_space<hbm>> -> memref<8x128xi32, #tpu.memory_space<hbm>>
        tpu.enqueue_dma source(%dma_start3A_125 : memref<8x128xi32, #tpu.memory_space<hbm>>) target(%arg10 : memref<8x128xi32, #tpu.memory_space<vmem>>) target_semaphore(%run_scoped3A : memref<!tpu.dma_semaphore, #tpu.memory_space<semaphore_mem>>)
        %dma_wait3A_126 = arith.constant 0 : i32
        %dma_wait3A_127 = tpu.memref_slice %arg4[%add3A_81, %dma_wait3A_126] : memref<2560x128xi32, #tpu.memory_space<hbm>> -> memref<8x128xi32, #tpu.memory_space<hbm>>
        %dma_wait3A_128 = arith.constant 0 : i32
        %dma_wait3A_129 = tpu.memref_slice %arg4[%add3A_81, %dma_wait3A_128] : memref<2560x128xi32, #tpu.memory_space<hbm>> -> memref<8x128xi32, #tpu.memory_space<hbm>>
        tpu.wait_dma2 semaphore(%run_scoped3A : memref<!tpu.dma_semaphore, #tpu.memory_space<semaphore_mem>>) src(%dma_wait3A_129 : memref<8x128xi32, #tpu.memory_space<hbm>>) dst(%arg10 : memref<8x128xi32, #tpu.memory_space<vmem>>)
        tpu.yield
      }) : () -> ()
      %dma_start3A = arith.constant 0 : i32
      %dma_start3A_82 = arith.constant 0 : i32
      %dma_start3A_83 = tpu.memref_slice %arg9[%dma_start3A, %dma_start3A_82] : memref<8x128xi32, #tpu.memory_space<vmem>> -> memref<1x128xi32, #tpu.memory_space<vmem>>
      %dma_start3A_84 = tpu.memref_squeeze %dma_start3A_83 : memref<1x128xi32, #tpu.memory_space<vmem>> -> memref<128xi32, #tpu.memory_space<vmem>>
      %dma_start3A_85 = arith.constant 0 : i32
      %dma_start3A_86 = arith.constant 0 : i32
      %dma_start3A_87 = tpu.memref_slice %arg2[%dma_start3A_85, %dma_start3A_86] : memref<10000x128xf32, #tpu.memory_space<hbm>> -> memref<10000x128xf32, #tpu.memory_space<hbm>>
      tpu.enqueue_indirect_dma source(%dma_start3A_87 : memref<10000x128xf32, #tpu.memory_space<hbm>>) target(%arg11 : memref<128x128xf32, #tpu.memory_space<vmem>>) offsets(%dma_start3A_84 : memref<128xi32, #tpu.memory_space<vmem>>) semaphore(%arg15 : memref<!tpu.dma_semaphore, #tpu.memory_space<semaphore_mem>>)
      %dma_start3A_88 = arith.constant 1 : i32
      %dma_start3A_89 = arith.constant 0 : i32
      %dma_start3A_90 = tpu.memref_slice %arg9[%dma_start3A_88, %dma_start3A_89] : memref<8x128xi32, #tpu.memory_space<vmem>> -> memref<1x128xi32, #tpu.memory_space<vmem>>
      %dma_start3A_91 = tpu.memref_squeeze %dma_start3A_90 : memref<1x128xi32, #tpu.memory_space<vmem>> -> memref<128xi32, #tpu.memory_space<vmem>>
      %dma_start3A_92 = arith.constant 0 : i32
      %dma_start3A_93 = arith.constant 0 : i32
      %dma_start3A_94 = tpu.memref_slice %arg2[%dma_start3A_92, %dma_start3A_93] : memref<10000x128xf32, #tpu.memory_space<hbm>> -> memref<10000x128xf32, #tpu.memory_space<hbm>>
      tpu.enqueue_indirect_dma source(%dma_start3A_94 : memref<10000x128xf32, #tpu.memory_space<hbm>>) target(%arg12 : memref<128x128xf32, #tpu.memory_space<vmem>>) offsets(%dma_start3A_91 : memref<128xi32, #tpu.memory_space<vmem>>) semaphore(%arg16 : memref<!tpu.dma_semaphore, #tpu.memory_space<semaphore_mem>>)
      %scan3A_95 = arith.constant 0 : i32
      %scan3A_96 = arith.constant 0 : i32
      %scan3A_97 = arith.constant 4 : i32
      %scan3A_98 = arith.addi %scan3A_96, %scan3A_97 : i32
      %scan3A_99 = arith.constant 1 : i32
      %scan3A_100 = scf.for %scan3A_122 = %scan3A_96 to %scan3A_98 step %scan3A_99 iter_args(%scan3A_123 = %scan3A_95) -> (i32)  : i32 {
        %mul3A_124 = arith.constant 2 : i32
        %mul3A_125 = arith.muli %scan3A_122, %mul3A_124 : i32
        %add3A_126 = arith.constant 1 : i32
        %add3A_127 = arith.addi %mul3A_125, %add3A_126 : i32
        %dma_wait3A_128 = arith.constant 0 : i32
        %dma_wait3A_129 = tpu.memref_slice %arg9[%mul3A_125, %dma_wait3A_128] : memref<8x128xi32, #tpu.memory_space<vmem>> -> memref<1x128xi32, #tpu.memory_space<vmem>>
        %dma_wait3A_130 = tpu.memref_squeeze %dma_wait3A_129 : memref<1x128xi32, #tpu.memory_space<vmem>> -> memref<128xi32, #tpu.memory_space<vmem>>
        %dma_wait3A_131 = arith.constant 0 : i32
        %dma_wait3A_132 = arith.constant 0 : i32
        %dma_wait3A_133 = tpu.memref_slice %arg2[%dma_wait3A_131, %dma_wait3A_132] : memref<10000x128xf32, #tpu.memory_space<hbm>> -> memref<10000x128xf32, #tpu.memory_space<hbm>>
        tpu.wait_indirect_dma semaphore(%arg15 : memref<!tpu.dma_semaphore, #tpu.memory_space<semaphore_mem>>) src(%dma_wait3A_133 : memref<10000x128xf32, #tpu.memory_space<hbm>>) dst(%arg11 : memref<128x128xf32, #tpu.memory_space<vmem>>)
        %dma_start3A_134 = arith.constant 0 : i32
        %dma_start3A_135 = tpu.memref_slice %arg10[%mul3A_125, %dma_start3A_134] : memref<8x128xi32, #tpu.memory_space<vmem>> -> memref<1x128xi32, #tpu.memory_space<vmem>>
        %dma_start3A_136 = tpu.memref_squeeze %dma_start3A_135 : memref<1x128xi32, #tpu.memory_space<vmem>> -> memref<128xi32, #tpu.memory_space<vmem>>
        %dma_start3A_137 = arith.constant 0 : i32
        %dma_start3A_138 = arith.constant 0 : i32
        %dma_start3A_139 = tpu.memref_slice %arg7[%dma_start3A_137, %dma_start3A_138] : memref<10240x128xf32, #tpu.memory_space<vmem_shared>> -> memref<10240x128xf32, #tpu.memory_space<vmem_shared>>
        tpu.enqueue_indirect_dma source(%arg11 : memref<128x128xf32, #tpu.memory_space<vmem>>) target(%dma_start3A_139 : memref<10240x128xf32, #tpu.memory_space<vmem_shared>>) offsets(%dma_start3A_136 : memref<128xi32, #tpu.memory_space<vmem>>) semaphore(%arg17 : memref<!tpu.dma_semaphore, #tpu.memory_space<semaphore_mem>>) {add = true}
        %dma_start3A_140 = arith.constant 0 : i32
        %dma_start3A_141 = tpu.memref_slice %arg10[%mul3A_125, %dma_start3A_140] : memref<8x128xi32, #tpu.memory_space<vmem>> -> memref<1x128xi32, #tpu.memory_space<vmem>>
        %dma_start3A_142 = tpu.memref_squeeze %dma_start3A_141 : memref<1x128xi32, #tpu.memory_space<vmem>> -> memref<128xi32, #tpu.memory_space<vmem>>
        %dma_start3A_143 = arith.constant 0 : i32
        %dma_start3A_144 = tpu.memref_slice %arg8[%dma_start3A_143] : memref<10240xf32, #tpu.memory_space<vmem_shared>> -> memref<10240xf32, #tpu.memory_space<vmem_shared>>
        tpu.enqueue_indirect_dma source(%arg13 : memref<128xf32, #tpu.memory_space<vmem>>) target(%dma_start3A_144 : memref<10240xf32, #tpu.memory_space<vmem_shared>>) offsets(%dma_start3A_142 : memref<128xi32, #tpu.memory_space<vmem>>) semaphore(%arg19 : memref<!tpu.dma_semaphore, #tpu.memory_space<semaphore_mem>>) {add = true}
        %dma_wait3A_145 = arith.constant 0 : i32
        %dma_wait3A_146 = tpu.memref_slice %arg9[%add3A_127, %dma_wait3A_145] : memref<8x128xi32, #tpu.memory_space<vmem>> -> memref<1x128xi32, #tpu.memory_space<vmem>>
        %dma_wait3A_147 = tpu.memref_squeeze %dma_wait3A_146 : memref<1x128xi32, #tpu.memory_space<vmem>> -> memref<128xi32, #tpu.memory_space<vmem>>
        %dma_wait3A_148 = arith.constant 0 : i32
        %dma_wait3A_149 = arith.constant 0 : i32
        %dma_wait3A_150 = tpu.memref_slice %arg2[%dma_wait3A_148, %dma_wait3A_149] : memref<10000x128xf32, #tpu.memory_space<hbm>> -> memref<10000x128xf32, #tpu.memory_space<hbm>>
        tpu.wait_indirect_dma semaphore(%arg16 : memref<!tpu.dma_semaphore, #tpu.memory_space<semaphore_mem>>) src(%dma_wait3A_150 : memref<10000x128xf32, #tpu.memory_space<hbm>>) dst(%arg12 : memref<128x128xf32, #tpu.memory_space<vmem>>)
        %add3A_151 = arith.constant 2 : i32
        %add3A_152 = arith.addi %mul3A_125, %add3A_151 : i32
        %lt3A = arith.constant 8 : i32
        %lt3A_153 = arith.cmpi slt, %add3A_152, %lt3A : i32
        %convert_element_type3A = arith.extui %lt3A_153 : i1 to i32
        %cond3A = arith.constant 0 : i32
        %cond3A_154 = arith.cmpi ne, %convert_element_type3A, %cond3A : i32
        scf.if %cond3A_154 {
          %dma_wait3A_174 = arith.constant 0 : i32
          %dma_wait3A_175 = tpu.memref_slice %arg10[%mul3A_125, %dma_wait3A_174] : memref<8x128xi32, #tpu.memory_space<vmem>> -> memref<1x128xi32, #tpu.memory_space<vmem>>
          %dma_wait3A_176 = tpu.memref_squeeze %dma_wait3A_175 : memref<1x128xi32, #tpu.memory_space<vmem>> -> memref<128xi32, #tpu.memory_space<vmem>>
          %dma_wait3A_177 = arith.constant 0 : i32
          %dma_wait3A_178 = arith.constant 0 : i32
          %dma_wait3A_179 = tpu.memref_slice %arg7[%dma_wait3A_177, %dma_wait3A_178] : memref<10240x128xf32, #tpu.memory_space<vmem_shared>> -> memref<10240x128xf32, #tpu.memory_space<vmem_shared>>
          tpu.wait_indirect_dma semaphore(%arg17 : memref<!tpu.dma_semaphore, #tpu.memory_space<semaphore_mem>>) src(%arg11 : memref<128x128xf32, #tpu.memory_space<vmem>>) dst(%dma_wait3A_179 : memref<10240x128xf32, #tpu.memory_space<vmem_shared>>)
          %add3A_180 = arith.constant 2 : i32
          %add3A_181 = arith.addi %mul3A_125, %add3A_180 : i32
          %dma_start3A_182 = arith.constant 0 : i32
          %dma_start3A_183 = tpu.memref_slice %arg9[%add3A_181, %dma_start3A_182] : memref<8x128xi32, #tpu.memory_space<vmem>> -> memref<1x128xi32, #tpu.memory_space<vmem>>
          %dma_start3A_184 = tpu.memref_squeeze %dma_start3A_183 : memref<1x128xi32, #tpu.memory_space<vmem>> -> memref<128xi32, #tpu.memory_space<vmem>>
          %dma_start3A_185 = arith.constant 0 : i32
          %dma_start3A_186 = arith.constant 0 : i32
          %dma_start3A_187 = tpu.memref_slice %arg2[%dma_start3A_185, %dma_start3A_186] : memref<10000x128xf32, #tpu.memory_space<hbm>> -> memref<10000x128xf32, #tpu.memory_space<hbm>>
          tpu.enqueue_indirect_dma source(%dma_start3A_187 : memref<10000x128xf32, #tpu.memory_space<hbm>>) target(%arg11 : memref<128x128xf32, #tpu.memory_space<vmem>>) offsets(%dma_start3A_184 : memref<128xi32, #tpu.memory_space<vmem>>) semaphore(%arg15 : memref<!tpu.dma_semaphore, #tpu.memory_space<semaphore_mem>>)
        } else {
        }
        %dma_start3A_155 = arith.constant 0 : i32
        %dma_start3A_156 = tpu.memref_slice %arg10[%add3A_127, %dma_start3A_155] : memref<8x128xi32, #tpu.memory_space<vmem>> -> memref<1x128xi32, #tpu.memory_space<vmem>>
        %dma_start3A_157 = tpu.memref_squeeze %dma_start3A_156 : memref<1x128xi32, #tpu.memory_space<vmem>> -> memref<128xi32, #tpu.memory_space<vmem>>
        %dma_start3A_158 = arith.constant 0 : i32
        %dma_start3A_159 = arith.constant 0 : i32
        %dma_start3A_160 = tpu.memref_slice %arg7[%dma_start3A_158, %dma_start3A_159] : memref<10240x128xf32, #tpu.memory_space<vmem_shared>> -> memref<10240x128xf32, #tpu.memory_space<vmem_shared>>
        tpu.enqueue_indirect_dma source(%arg12 : memref<128x128xf32, #tpu.memory_space<vmem>>) target(%dma_start3A_160 : memref<10240x128xf32, #tpu.memory_space<vmem_shared>>) offsets(%dma_start3A_157 : memref<128xi32, #tpu.memory_space<vmem>>) semaphore(%arg18 : memref<!tpu.dma_semaphore, #tpu.memory_space<semaphore_mem>>) {add = true}
        %dma_start3A_161 = arith.constant 0 : i32
        %dma_start3A_162 = tpu.memref_slice %arg10[%add3A_127, %dma_start3A_161] : memref<8x128xi32, #tpu.memory_space<vmem>> -> memref<1x128xi32, #tpu.memory_space<vmem>>
        %dma_start3A_163 = tpu.memref_squeeze %dma_start3A_162 : memref<1x128xi32, #tpu.memory_space<vmem>> -> memref<128xi32, #tpu.memory_space<vmem>>
        %dma_start3A_164 = arith.constant 0 : i32
        %dma_start3A_165 = tpu.memref_slice %arg8[%dma_start3A_164] : memref<10240xf32, #tpu.memory_space<vmem_shared>> -> memref<10240xf32, #tpu.memory_space<vmem_shared>>
        tpu.enqueue_indirect_dma source(%arg13 : memref<128xf32, #tpu.memory_space<vmem>>) target(%dma_start3A_165 : memref<10240xf32, #tpu.memory_space<vmem_shared>>) offsets(%dma_start3A_163 : memref<128xi32, #tpu.memory_space<vmem>>) semaphore(%arg19 : memref<!tpu.dma_semaphore, #tpu.memory_space<semaphore_mem>>) {add = true}
        %add3A_166 = arith.constant 2 : i32
        %add3A_167 = arith.addi %add3A_127, %add3A_166 : i32
        %lt3A_168 = arith.constant 8 : i32
        %lt3A_169 = arith.cmpi slt, %add3A_167, %lt3A_168 : i32
        %convert_element_type3A_170 = arith.extui %lt3A_169 : i1 to i32
        %cond3A_171 = arith.constant 0 : i32
        %cond3A_172 = arith.cmpi ne, %convert_element_type3A_170, %cond3A_171 : i32
        scf.if %cond3A_172 {
          %dma_wait3A_174 = arith.constant 0 : i32
          %dma_wait3A_175 = tpu.memref_slice %arg10[%add3A_127, %dma_wait3A_174] : memref<8x128xi32, #tpu.memory_space<vmem>> -> memref<1x128xi32, #tpu.memory_space<vmem>>
          %dma_wait3A_176 = tpu.memref_squeeze %dma_wait3A_175 : memref<1x128xi32, #tpu.memory_space<vmem>> -> memref<128xi32, #tpu.memory_space<vmem>>
          %dma_wait3A_177 = arith.constant 0 : i32
          %dma_wait3A_178 = arith.constant 0 : i32
          %dma_wait3A_179 = tpu.memref_slice %arg7[%dma_wait3A_177, %dma_wait3A_178] : memref<10240x128xf32, #tpu.memory_space<vmem_shared>> -> memref<10240x128xf32, #tpu.memory_space<vmem_shared>>
          tpu.wait_indirect_dma semaphore(%arg18 : memref<!tpu.dma_semaphore, #tpu.memory_space<semaphore_mem>>) src(%arg12 : memref<128x128xf32, #tpu.memory_space<vmem>>) dst(%dma_wait3A_179 : memref<10240x128xf32, #tpu.memory_space<vmem_shared>>)
          %add3A_180 = arith.constant 2 : i32
          %add3A_181 = arith.addi %add3A_127, %add3A_180 : i32
          %dma_start3A_182 = arith.constant 0 : i32
          %dma_start3A_183 = tpu.memref_slice %arg9[%add3A_181, %dma_start3A_182] : memref<8x128xi32, #tpu.memory_space<vmem>> -> memref<1x128xi32, #tpu.memory_space<vmem>>
          %dma_start3A_184 = tpu.memref_squeeze %dma_start3A_183 : memref<1x128xi32, #tpu.memory_space<vmem>> -> memref<128xi32, #tpu.memory_space<vmem>>
          %dma_start3A_185 = arith.constant 0 : i32
          %dma_start3A_186 = arith.constant 0 : i32
          %dma_start3A_187 = tpu.memref_slice %arg2[%dma_start3A_185, %dma_start3A_186] : memref<10000x128xf32, #tpu.memory_space<hbm>> -> memref<10000x128xf32, #tpu.memory_space<hbm>>
          tpu.enqueue_indirect_dma source(%dma_start3A_187 : memref<10000x128xf32, #tpu.memory_space<hbm>>) target(%arg12 : memref<128x128xf32, #tpu.memory_space<vmem>>) offsets(%dma_start3A_184 : memref<128xi32, #tpu.memory_space<vmem>>) semaphore(%arg16 : memref<!tpu.dma_semaphore, #tpu.memory_space<semaphore_mem>>)
        } else {
        }
        %scan3A_173 = arith.constant 0 : i32
        scf.yield %scan3A_173 : i32
      }
      %scan3A_101 = arith.constant 4 : i32
      %dma_wait3A = arith.constant 0 : i32
      %dma_wait3A_102 = arith.constant 0 : i32
      %dma_wait3A_103 = tpu.memref_slice %arg10[%dma_wait3A, %dma_wait3A_102] : memref<8x128xi32, #tpu.memory_space<vmem>> -> memref<1x128xi32, #tpu.memory_space<vmem>>
      %dma_wait3A_104 = tpu.memref_squeeze %dma_wait3A_103 : memref<1x128xi32, #tpu.memory_space<vmem>> -> memref<128xi32, #tpu.memory_space<vmem>>
      %dma_wait3A_105 = arith.constant 0 : i32
      %dma_wait3A_106 = arith.constant 0 : i32
      %dma_wait3A_107 = tpu.memref_slice %arg7[%dma_wait3A_105, %dma_wait3A_106] : memref<10240x128xf32, #tpu.memory_space<vmem_shared>> -> memref<10240x128xf32, #tpu.memory_space<vmem_shared>>
      tpu.wait_indirect_dma semaphore(%arg17 : memref<!tpu.dma_semaphore, #tpu.memory_space<semaphore_mem>>) src(%arg11 : memref<128x128xf32, #tpu.memory_space<vmem>>) dst(%dma_wait3A_107 : memref<10240x128xf32, #tpu.memory_space<vmem_shared>>)
      %dma_wait3A_108 = arith.constant 1 : i32
      %dma_wait3A_109 = arith.constant 0 : i32
      %dma_wait3A_110 = tpu.memref_slice %arg10[%dma_wait3A_108, %dma_wait3A_109] : memref<8x128xi32, #tpu.memory_space<vmem>> -> memref<1x128xi32, #tpu.memory_space<vmem>>
      %dma_wait3A_111 = tpu.memref_squeeze %dma_wait3A_110 : memref<1x128xi32, #tpu.memory_space<vmem>> -> memref<128xi32, #tpu.memory_space<vmem>>
      %dma_wait3A_112 = arith.constant 0 : i32
      %dma_wait3A_113 = arith.constant 0 : i32
      %dma_wait3A_114 = tpu.memref_slice %arg7[%dma_wait3A_112, %dma_wait3A_113] : memref<10240x128xf32, #tpu.memory_space<vmem_shared>> -> memref<10240x128xf32, #tpu.memory_space<vmem_shared>>
      tpu.wait_indirect_dma semaphore(%arg18 : memref<!tpu.dma_semaphore, #tpu.memory_space<semaphore_mem>>) src(%arg12 : memref<128x128xf32, #tpu.memory_space<vmem>>) dst(%dma_wait3A_114 : memref<10240x128xf32, #tpu.memory_space<vmem_shared>>)
      %dma_wait3A_115 = arith.constant 0 : i32
      %dma_wait3A_116 = arith.constant 0 : i32
      %dma_wait3A_117 = tpu.memref_slice %arg3[%dma_wait3A_115, %dma_wait3A_116] : memref<2560x128xi32, #tpu.memory_space<hbm>> -> memref<8x128xi32, #tpu.memory_space<hbm>>
      %dma_wait3A_118 = arith.constant 0 : i32
      %dma_wait3A_119 = arith.constant 0 : i32
      %dma_wait3A_120 = tpu.memref_slice %arg3[%dma_wait3A_118, %dma_wait3A_119] : memref<2560x128xi32, #tpu.memory_space<hbm>> -> memref<8x128xi32, #tpu.memory_space<hbm>>
      tpu.wait_dma2 semaphore(%arg19 : memref<!tpu.dma_semaphore, #tpu.memory_space<semaphore_mem>>) src(%dma_wait3A_120 : memref<8x128xi32, #tpu.memory_space<hbm>>) dst(%arg9 : memref<8x128xi32, #tpu.memory_space<vmem>>)
      %while3A_121 = arith.constant 0 : i32
      scf.yield %while3A_121 : i32
    }
    %while3A_71 = arith.constant 1 : i32
    %while3A_72 = scf.for %while3A_74 = %while3A_68 to %while3A_64 step %while3A_71 iter_args(%while3A_75 = %while3A_70) -> (i32)  : i32 {
      %mul3A_76 = arith.constant 8 : i32
      %mul3A_77 = arith.muli %while3A_74, %mul3A_76 : i32
      %add3A_78 = arith.addi %select_n3A_8, %mul3A_77 : i32
      "tpu.region"() ({
        %run_scoped3A = tpu.sem_alloc : memref<!tpu.dma_semaphore, #tpu.memory_space<semaphore_mem>>
        %dma_start3A_122 = arith.constant 0 : i32
        %dma_start3A_123 = tpu.memref_slice %arg3[%add3A_78, %dma_start3A_122] : memref<2560x128xi32, #tpu.memory_space<hbm>> -> memref<8x128xi32, #tpu.memory_space<hbm>>
        %dma_start3A_124 = arith.constant 0 : i32
        %dma_start3A_125 = tpu.memref_slice %arg3[%add3A_78, %dma_start3A_124] : memref<2560x128xi32, #tpu.memory_space<hbm>> -> memref<8x128xi32, #tpu.memory_space<hbm>>
        tpu.enqueue_dma source(%dma_start3A_125 : memref<8x128xi32, #tpu.memory_space<hbm>>) target(%arg9 : memref<8x128xi32, #tpu.memory_space<vmem>>) target_semaphore(%run_scoped3A : memref<!tpu.dma_semaphore, #tpu.memory_space<semaphore_mem>>)
        %dma_wait3A_126 = arith.constant 0 : i32
        %dma_wait3A_127 = tpu.memref_slice %arg3[%add3A_78, %dma_wait3A_126] : memref<2560x128xi32, #tpu.memory_space<hbm>> -> memref<8x128xi32, #tpu.memory_space<hbm>>
        %dma_wait3A_128 = arith.constant 0 : i32
        %dma_wait3A_129 = tpu.memref_slice %arg3[%add3A_78, %dma_wait3A_128] : memref<2560x128xi32, #tpu.memory_space<hbm>> -> memref<8x128xi32, #tpu.memory_space<hbm>>
        tpu.wait_dma2 semaphore(%run_scoped3A : memref<!tpu.dma_semaphore, #tpu.memory_space<semaphore_mem>>) src(%dma_wait3A_129 : memref<8x128xi32, #tpu.memory_space<hbm>>) dst(%arg9 : memref<8x128xi32, #tpu.memory_space<vmem>>)
        tpu.yield
      }) : () -> ()
      %mul3A_79 = arith.constant 8 : i32
      %mul3A_80 = arith.muli %while3A_74, %mul3A_79 : i32
      %add3A_81 = arith.addi %select_n3A_8, %mul3A_80 : i32
      "tpu.region"() ({
        %run_scoped3A = tpu.sem_alloc : memref<!tpu.dma_semaphore, #tpu.memory_space<semaphore_mem>>
        %dma_start3A_122 = arith.constant 0 : i32
        %dma_start3A_123 = tpu.memref_slice %arg4[%add3A_81, %dma_start3A_122] : memref<2560x128xi32, #tpu.memory_space<hbm>> -> memref<8x128xi32, #tpu.memory_space<hbm>>
        %dma_start3A_124 = arith.constant 0 : i32
        %dma_start3A_125 = tpu.memref_slice %arg4[%add3A_81, %dma_start3A_124] : memref<2560x128xi32, #tpu.memory_space<hbm>> -> memref<8x128xi32, #tpu.memory_space<hbm>>
        tpu.enqueue_dma source(%dma_start3A_125 : memref<8x128xi32, #tpu.memory_space<hbm>>) target(%arg10 : memref<8x128xi32, #tpu.memory_space<vmem>>) target_semaphore(%run_scoped3A : memref<!tpu.dma_semaphore, #tpu.memory_space<semaphore_mem>>)
        %dma_wait3A_126 = arith.constant 0 : i32
        %dma_wait3A_127 = tpu.memref_slice %arg4[%add3A_81, %dma_wait3A_126] : memref<2560x128xi32, #tpu.memory_space<hbm>> -> memref<8x128xi32, #tpu.memory_space<hbm>>
        %dma_wait3A_128 = arith.constant 0 : i32
        %dma_wait3A_129 = tpu.memref_slice %arg4[%add3A_81, %dma_wait3A_128] : memref<2560x128xi32, #tpu.memory_space<hbm>> -> memref<8x128xi32, #tpu.memory_space<hbm>>
        tpu.wait_dma2 semaphore(%run_scoped3A : memref<!tpu.dma_semaphore, #tpu.memory_space<semaphore_mem>>) src(%dma_wait3A_129 : memref<8x128xi32, #tpu.memory_space<hbm>>) dst(%arg10 : memref<8x128xi32, #tpu.memory_space<vmem>>)
        tpu.yield
      }) : () -> ()
      %dma_start3A = arith.constant 0 : i32
      %dma_start3A_82 = arith.constant 0 : i32
      %dma_start3A_83 = tpu.memref_slice %arg9[%dma_start3A, %dma_start3A_82] : memref<8x128xi32, #tpu.memory_space<vmem>> -> memref<1x128xi32, #tpu.memory_space<vmem>>
      %dma_start3A_84 = tpu.memref_squeeze %dma_start3A_83 : memref<1x128xi32, #tpu.memory_space<vmem>> -> memref<128xi32, #tpu.memory_space<vmem>>
      %dma_start3A_85 = arith.constant 0 : i32
      %dma_start3A_86 = arith.constant 0 : i32
      %dma_start3A_87 = tpu.memref_slice %arg2[%dma_start3A_85, %dma_start3A_86] : memref<10000x128xf32, #tpu.memory_space<hbm>> -> memref<10000x128xf32, #tpu.memory_space<hbm>>
      tpu.enqueue_indirect_dma source(%dma_start3A_87 : memref<10000x128xf32, #tpu.memory_space<hbm>>) target(%arg11 : memref<128x128xf32, #tpu.memory_space<vmem>>) offsets(%dma_start3A_84 : memref<128xi32, #tpu.memory_space<vmem>>) semaphore(%arg15 : memref<!tpu.dma_semaphore, #tpu.memory_space<semaphore_mem>>)
      %dma_start3A_88 = arith.constant 1 : i32
      %dma_start3A_89 = arith.constant 0 : i32
      %dma_start3A_90 = tpu.memref_slice %arg9[%dma_start3A_88, %dma_start3A_89] : memref<8x128xi32, #tpu.memory_space<vmem>> -> memref<1x128xi32, #tpu.memory_space<vmem>>
      %dma_start3A_91 = tpu.memref_squeeze %dma_start3A_90 : memref<1x128xi32, #tpu.memory_space<vmem>> -> memref<128xi32, #tpu.memory_space<vmem>>
      %dma_start3A_92 = arith.constant 0 : i32
      %dma_start3A_93 = arith.constant 0 : i32
      %dma_start3A_94 = tpu.memref_slice %arg2[%dma_start3A_92, %dma_start3A_93] : memref<10000x128xf32, #tpu.memory_space<hbm>> -> memref<10000x128xf32, #tpu.memory_space<hbm>>
      tpu.enqueue_indirect_dma source(%dma_start3A_94 : memref<10000x128xf32, #tpu.memory_space<hbm>>) target(%arg12 : memref<128x128xf32, #tpu.memory_space<vmem>>) offsets(%dma_start3A_91 : memref<128xi32, #tpu.memory_space<vmem>>) semaphore(%arg16 : memref<!tpu.dma_semaphore, #tpu.memory_space<semaphore_mem>>)
      %scan3A_95 = arith.constant 0 : i32
      %scan3A_96 = arith.constant 0 : i32
      %scan3A_97 = arith.constant 4 : i32
      %scan3A_98 = arith.addi %scan3A_96, %scan3A_97 : i32
      %scan3A_99 = arith.constant 1 : i32
      %scan3A_100 = scf.for %scan3A_122 = %scan3A_96 to %scan3A_98 step %scan3A_99 iter_args(%scan3A_123 = %scan3A_95) -> (i32)  : i32 {
        %mul3A_124 = arith.constant 2 : i32
        %mul3A_125 = arith.muli %scan3A_122, %mul3A_124 : i32
        %add3A_126 = arith.constant 1 : i32
        %add3A_127 = arith.addi %mul3A_125, %add3A_126 : i32
        %dma_wait3A_128 = arith.constant 0 : i32
        %dma_wait3A_129 = tpu.memref_slice %arg9[%mul3A_125, %dma_wait3A_128] : memref<8x128xi32, #tpu.memory_space<vmem>> -> memref<1x128xi32, #tpu.memory_space<vmem>>
        %dma_wait3A_130 = tpu.memref_squeeze %dma_wait3A_129 : memref<1x128xi32, #tpu.memory_space<vmem>> -> memref<128xi32, #tpu.memory_space<vmem>>
        %dma_wait3A_131 = arith.constant 0 : i32
        %dma_wait3A_132 = arith.constant 0 : i32
        %dma_wait3A_133 = tpu.memref_slice %arg2[%dma_wait3A_131, %dma_wait3A_132] : memref<10000x128xf32, #tpu.memory_space<hbm>> -> memref<10000x128xf32, #tpu.memory_space<hbm>>
        tpu.wait_indirect_dma semaphore(%arg15 : memref<!tpu.dma_semaphore, #tpu.memory_space<semaphore_mem>>) src(%dma_wait3A_133 : memref<10000x128xf32, #tpu.memory_space<hbm>>) dst(%arg11 : memref<128x128xf32, #tpu.memory_space<vmem>>)
        %dma_start3A_134 = arith.constant 0 : i32
        %dma_start3A_135 = tpu.memref_slice %arg10[%mul3A_125, %dma_start3A_134] : memref<8x128xi32, #tpu.memory_space<vmem>> -> memref<1x128xi32, #tpu.memory_space<vmem>>
        %dma_start3A_136 = tpu.memref_squeeze %dma_start3A_135 : memref<1x128xi32, #tpu.memory_space<vmem>> -> memref<128xi32, #tpu.memory_space<vmem>>
        %dma_start3A_137 = arith.constant 0 : i32
        %dma_start3A_138 = arith.constant 0 : i32
        %dma_start3A_139 = tpu.memref_slice %arg7[%dma_start3A_137, %dma_start3A_138] : memref<10240x128xf32, #tpu.memory_space<vmem_shared>> -> memref<10240x128xf32, #tpu.memory_space<vmem_shared>>
        tpu.enqueue_indirect_dma source(%arg11 : memref<128x128xf32, #tpu.memory_space<vmem>>) target(%dma_start3A_139 : memref<10240x128xf32, #tpu.memory_space<vmem_shared>>) offsets(%dma_start3A_136 : memref<128xi32, #tpu.memory_space<vmem>>) semaphore(%arg17 : memref<!tpu.dma_semaphore, #tpu.memory_space<semaphore_mem>>) {add = true}
        %dma_start3A_140 = arith.constant 0 : i32
        %dma_start3A_141 = tpu.memref_slice %arg10[%mul3A_125, %dma_start3A_140] : memref<8x128xi32, #tpu.memory_space<vmem>> -> memref<1x128xi32, #tpu.memory_space<vmem>>
        %dma_start3A_142 = tpu.memref_squeeze %dma_start3A_141 : memref<1x128xi32, #tpu.memory_space<vmem>> -> memref<128xi32, #tpu.memory_space<vmem>>
        %dma_start3A_143 = arith.constant 0 : i32
        %dma_start3A_144 = tpu.memref_slice %arg8[%dma_start3A_143] : memref<10240xf32, #tpu.memory_space<vmem_shared>> -> memref<10240xf32, #tpu.memory_space<vmem_shared>>
        tpu.enqueue_indirect_dma source(%arg13 : memref<128xf32, #tpu.memory_space<vmem>>) target(%dma_start3A_144 : memref<10240xf32, #tpu.memory_space<vmem_shared>>) offsets(%dma_start3A_142 : memref<128xi32, #tpu.memory_space<vmem>>) semaphore(%arg19 : memref<!tpu.dma_semaphore, #tpu.memory_space<semaphore_mem>>) {add = true}
        %dma_wait3A_145 = arith.constant 0 : i32
        %dma_wait3A_146 = tpu.memref_slice %arg9[%add3A_127, %dma_wait3A_145] : memref<8x128xi32, #tpu.memory_space<vmem>> -> memref<1x128xi32, #tpu.memory_space<vmem>>
        %dma_wait3A_147 = tpu.memref_squeeze %dma_wait3A_146 : memref<1x128xi32, #tpu.memory_space<vmem>> -> memref<128xi32, #tpu.memory_space<vmem>>
        %dma_wait3A_148 = arith.constant 0 : i32
        %dma_wait3A_149 = arith.constant 0 : i32
        %dma_wait3A_150 = tpu.memref_slice %arg2[%dma_wait3A_148, %dma_wait3A_149] : memref<10000x128xf32, #tpu.memory_space<hbm>> -> memref<10000x128xf32, #tpu.memory_space<hbm>>
        tpu.wait_indirect_dma semaphore(%arg16 : memref<!tpu.dma_semaphore, #tpu.memory_space<semaphore_mem>>) src(%dma_wait3A_150 : memref<10000x128xf32, #tpu.memory_space<hbm>>) dst(%arg12 : memref<128x128xf32, #tpu.memory_space<vmem>>)
        %add3A_151 = arith.constant 2 : i32
        %add3A_152 = arith.addi %mul3A_125, %add3A_151 : i32
        %lt3A = arith.constant 8 : i32
        %lt3A_153 = arith.cmpi slt, %add3A_152, %lt3A : i32
        %convert_element_type3A = arith.extui %lt3A_153 : i1 to i32
        %cond3A = arith.constant 0 : i32
        %cond3A_154 = arith.cmpi ne, %convert_element_type3A, %cond3A : i32
        scf.if %cond3A_154 {
          %dma_wait3A_174 = arith.constant 0 : i32
          %dma_wait3A_175 = tpu.memref_slice %arg10[%mul3A_125, %dma_wait3A_174] : memref<8x128xi32, #tpu.memory_space<vmem>> -> memref<1x128xi32, #tpu.memory_space<vmem>>
          %dma_wait3A_176 = tpu.memref_squeeze %dma_wait3A_175 : memref<1x128xi32, #tpu.memory_space<vmem>> -> memref<128xi32, #tpu.memory_space<vmem>>
          %dma_wait3A_177 = arith.constant 0 : i32
          %dma_wait3A_178 = arith.constant 0 : i32
          %dma_wait3A_179 = tpu.memref_slice %arg7[%dma_wait3A_177, %dma_wait3A_178] : memref<10240x128xf32, #tpu.memory_space<vmem_shared>> -> memref<10240x128xf32, #tpu.memory_space<vmem_shared>>
          tpu.wait_indirect_dma semaphore(%arg17 : memref<!tpu.dma_semaphore, #tpu.memory_space<semaphore_mem>>) src(%arg11 : memref<128x128xf32, #tpu.memory_space<vmem>>) dst(%dma_wait3A_179 : memref<10240x128xf32, #tpu.memory_space<vmem_shared>>)
          %add3A_180 = arith.constant 2 : i32
          %add3A_181 = arith.addi %mul3A_125, %add3A_180 : i32
          %dma_start3A_182 = arith.constant 0 : i32
          %dma_start3A_183 = tpu.memref_slice %arg9[%add3A_181, %dma_start3A_182] : memref<8x128xi32, #tpu.memory_space<vmem>> -> memref<1x128xi32, #tpu.memory_space<vmem>>
          %dma_start3A_184 = tpu.memref_squeeze %dma_start3A_183 : memref<1x128xi32, #tpu.memory_space<vmem>> -> memref<128xi32, #tpu.memory_space<vmem>>
          %dma_start3A_185 = arith.constant 0 : i32
          %dma_start3A_186 = arith.constant 0 : i32
          %dma_start3A_187 = tpu.memref_slice %arg2[%dma_start3A_185, %dma_start3A_186] : memref<10000x128xf32, #tpu.memory_space<hbm>> -> memref<10000x128xf32, #tpu.memory_space<hbm>>
          tpu.enqueue_indirect_dma source(%dma_start3A_187 : memref<10000x128xf32, #tpu.memory_space<hbm>>) target(%arg11 : memref<128x128xf32, #tpu.memory_space<vmem>>) offsets(%dma_start3A_184 : memref<128xi32, #tpu.memory_space<vmem>>) semaphore(%arg15 : memref<!tpu.dma_semaphore, #tpu.memory_space<semaphore_mem>>)
        } else {
        }
        %dma_start3A_155 = arith.constant 0 : i32
        %dma_start3A_156 = tpu.memref_slice %arg10[%add3A_127, %dma_start3A_155] : memref<8x128xi32, #tpu.memory_space<vmem>> -> memref<1x128xi32, #tpu.memory_space<vmem>>
        %dma_start3A_157 = tpu.memref_squeeze %dma_start3A_156 : memref<1x128xi32, #tpu.memory_space<vmem>> -> memref<128xi32, #tpu.memory_space<vmem>>
        %dma_start3A_158 = arith.constant 0 : i32
        %dma_start3A_159 = arith.constant 0 : i32
        %dma_start3A_160 = tpu.memref_slice %arg7[%dma_start3A_158, %dma_start3A_159] : memref<10240x128xf32, #tpu.memory_space<vmem_shared>> -> memref<10240x128xf32, #tpu.memory_space<vmem_shared>>
        tpu.enqueue_indirect_dma source(%arg12 : memref<128x128xf32, #tpu.memory_space<vmem>>) target(%dma_start3A_160 : memref<10240x128xf32, #tpu.memory_space<vmem_shared>>) offsets(%dma_start3A_157 : memref<128xi32, #tpu.memory_space<vmem>>) semaphore(%arg18 : memref<!tpu.dma_semaphore, #tpu.memory_space<semaphore_mem>>) {add = true}
        %dma_start3A_161 = arith.constant 0 : i32
        %dma_start3A_162 = tpu.memref_slice %arg10[%add3A_127, %dma_start3A_161] : memref<8x128xi32, #tpu.memory_space<vmem>> -> memref<1x128xi32, #tpu.memory_space<vmem>>
        %dma_start3A_163 = tpu.memref_squeeze %dma_start3A_162 : memref<1x128xi32, #tpu.memory_space<vmem>> -> memref<128xi32, #tpu.memory_space<vmem>>
        %dma_start3A_164 = arith.constant 0 : i32
        %dma_start3A_165 = tpu.memref_slice %arg8[%dma_start3A_164] : memref<10240xf32, #tpu.memory_space<vmem_shared>> -> memref<10240xf32, #tpu.memory_space<vmem_shared>>
        tpu.enqueue_indirect_dma source(%arg13 : memref<128xf32, #tpu.memory_space<vmem>>) target(%dma_start3A_165 : memref<10240xf32, #tpu.memory_space<vmem_shared>>) offsets(%dma_start3A_163 : memref<128xi32, #tpu.memory_space<vmem>>) semaphore(%arg19 : memref<!tpu.dma_semaphore, #tpu.memory_space<semaphore_mem>>) {add = true}
        %add3A_166 = arith.constant 2 : i32
        %add3A_167 = arith.addi %add3A_127, %add3A_166 : i32
        %lt3A_168 = arith.constant 8 : i32
        %lt3A_169 = arith.cmpi slt, %add3A_167, %lt3A_168 : i32
        %convert_element_type3A_170 = arith.extui %lt3A_169 : i1 to i32
        %cond3A_171 = arith.constant 0 : i32
        %cond3A_172 = arith.cmpi ne, %convert_element_type3A_170, %cond3A_171 : i32
        scf.if %cond3A_172 {
          %dma_wait3A_174 = arith.constant 0 : i32
          %dma_wait3A_175 = tpu.memref_slice %arg10[%add3A_127, %dma_wait3A_174] : memref<8x128xi32, #tpu.memory_space<vmem>> -> memref<1x128xi32, #tpu.memory_space<vmem>>
          %dma_wait3A_176 = tpu.memref_squeeze %dma_wait3A_175 : memref<1x128xi32, #tpu.memory_space<vmem>> -> memref<128xi32, #tpu.memory_space<vmem>>
          %dma_wait3A_177 = arith.constant 0 : i32
          %dma_wait3A_178 = arith.constant 0 : i32
          %dma_wait3A_179 = tpu.memref_slice %arg7[%dma_wait3A_177, %dma_wait3A_178] : memref<10240x128xf32, #tpu.memory_space<vmem_shared>> -> memref<10240x128xf32, #tpu.memory_space<vmem_shared>>
          tpu.wait_indirect_dma semaphore(%arg18 : memref<!tpu.dma_semaphore, #tpu.memory_space<semaphore_mem>>) src(%arg12 : memref<128x128xf32, #tpu.memory_space<vmem>>) dst(%dma_wait3A_179 : memref<10240x128xf32, #tpu.memory_space<vmem_shared>>)
          %add3A_180 = arith.constant 2 : i32
          %add3A_181 = arith.addi %add3A_127, %add3A_180 : i32
          %dma_start3A_182 = arith.constant 0 : i32
          %dma_start3A_183 = tpu.memref_slice %arg9[%add3A_181, %dma_start3A_182] : memref<8x128xi32, #tpu.memory_space<vmem>> -> memref<1x128xi32, #tpu.memory_space<vmem>>
          %dma_start3A_184 = tpu.memref_squeeze %dma_start3A_183 : memref<1x128xi32, #tpu.memory_space<vmem>> -> memref<128xi32, #tpu.memory_space<vmem>>
          %dma_start3A_185 = arith.constant 0 : i32
          %dma_start3A_186 = arith.constant 0 : i32
          %dma_start3A_187 = tpu.memref_slice %arg2[%dma_start3A_185, %dma_start3A_186] : memref<10000x128xf32, #tpu.memory_space<hbm>> -> memref<10000x128xf32, #tpu.memory_space<hbm>>
          tpu.enqueue_indirect_dma source(%dma_start3A_187 : memref<10000x128xf32, #tpu.memory_space<hbm>>) target(%arg12 : memref<128x128xf32, #tpu.memory_space<vmem>>) offsets(%dma_start3A_184 : memref<128xi32, #tpu.memory_space<vmem>>) semaphore(%arg16 : memref<!tpu.dma_semaphore, #tpu.memory_space<semaphore_mem>>)
        } else {
        }
        %scan3A_173 = arith.constant 0 : i32
        scf.yield %scan3A_173 : i32
      }
      %scan3A_101 = arith.constant 4 : i32
      %dma_wait3A = arith.constant 0 : i32
      %dma_wait3A_102 = arith.constant 0 : i32
      %dma_wait3A_103 = tpu.memref_slice %arg10[%dma_wait3A, %dma_wait3A_102] : memref<8x128xi32, #tpu.memory_space<vmem>> -> memref<1x128xi32, #tpu.memory_space<vmem>>
      %dma_wait3A_104 = tpu.memref_squeeze %dma_wait3A_103 : memref<1x128xi32, #tpu.memory_space<vmem>> -> memref<128xi32, #tpu.memory_space<vmem>>
      %dma_wait3A_105 = arith.constant 0 : i32
      %dma_wait3A_106 = arith.constant 0 : i32
      %dma_wait3A_107 = tpu.memref_slice %arg7[%dma_wait3A_105, %dma_wait3A_106] : memref<10240x128xf32, #tpu.memory_space<vmem_shared>> -> memref<10240x128xf32, #tpu.memory_space<vmem_shared>>
      tpu.wait_indirect_dma semaphore(%arg17 : memref<!tpu.dma_semaphore, #tpu.memory_space<semaphore_mem>>) src(%arg11 : memref<128x128xf32, #tpu.memory_space<vmem>>) dst(%dma_wait3A_107 : memref<10240x128xf32, #tpu.memory_space<vmem_shared>>)
      %dma_wait3A_108 = arith.constant 1 : i32
      %dma_wait3A_109 = arith.constant 0 : i32
      %dma_wait3A_110 = tpu.memref_slice %arg10[%dma_wait3A_108, %dma_wait3A_109] : memref<8x128xi32, #tpu.memory_space<vmem>> -> memref<1x128xi32, #tpu.memory_space<vmem>>
      %dma_wait3A_111 = tpu.memref_squeeze %dma_wait3A_110 : memref<1x128xi32, #tpu.memory_space<vmem>> -> memref<128xi32, #tpu.memory_space<vmem>>
      %dma_wait3A_112 = arith.constant 0 : i32
      %dma_wait3A_113 = arith.constant 0 : i32
      %dma_wait3A_114 = tpu.memref_slice %arg7[%dma_wait3A_112, %dma_wait3A_113] : memref<10240x128xf32, #tpu.memory_space<vmem_shared>> -> memref<10240x128xf32, #tpu.memory_space<vmem_shared>>
      tpu.wait_indirect_dma semaphore(%arg18 : memref<!tpu.dma_semaphore, #tpu.memory_space<semaphore_mem>>) src(%arg12 : memref<128x128xf32, #tpu.memory_space<vmem>>) dst(%dma_wait3A_114 : memref<10240x128xf32, #tpu.memory_space<vmem_shared>>)
      %dma_wait3A_115 = arith.constant 0 : i32
      %dma_wait3A_116 = arith.constant 0 : i32
      %dma_wait3A_117 = tpu.memref_slice %arg3[%dma_wait3A_115, %dma_wait3A_116] : memref<2560x128xi32, #tpu.memory_space<hbm>> -> memref<8x128xi32, #tpu.memory_space<hbm>>
      %dma_wait3A_118 = arith.constant 0 : i32
      %dma_wait3A_119 = arith.constant 0 : i32
      %dma_wait3A_120 = tpu.memref_slice %arg3[%dma_wait3A_118, %dma_wait3A_119] : memref<2560x128xi32, #tpu.memory_space<hbm>> -> memref<8x128xi32, #tpu.memory_space<hbm>>
      tpu.wait_dma2 semaphore(%arg19 : memref<!tpu.dma_semaphore, #tpu.memory_space<semaphore_mem>>) src(%dma_wait3A_120 : memref<8x128xi32, #tpu.memory_space<hbm>>) dst(%arg9 : memref<8x128xi32, #tpu.memory_space<vmem>>)
      %while3A_121 = arith.constant 0 : i32
      scf.yield %while3A_121 : i32
    }
    %barrier3A_73 = arith.constant 0 : index
    tpu.barrier barrier_id(%barrier3A_73)
    "tpu.region"() ({
      %run_scoped3A = tpu.sem_alloc : memref<!tpu.dma_semaphore, #tpu.memory_space<semaphore_mem>>
      %dma_start3A = arith.constant 0 : i32
      %dma_start3A_74 = tpu.memref_slice %arg5[%arg0, %mul3A_33, %dma_start3A] : memref<2x10240x128xf32, #tpu.memory_space<hbm>> -> memref<1x640x128xf32, #tpu.memory_space<hbm>>
      %dma_start3A_75 = tpu.memref_squeeze %dma_start3A_74 : memref<1x640x128xf32, #tpu.memory_space<hbm>> -> memref<640x128xf32, #tpu.memory_space<hbm>>
      %dma_start3A_76 = arith.constant 0 : i32
      %dma_start3A_77 = tpu.memref_slice %arg7[%mul3A_33, %dma_start3A_76] : memref<10240x128xf32, #tpu.memory_space<vmem_shared>> -> memref<640x128xf32, #tpu.memory_space<vmem_shared>>
      tpu.enqueue_dma source(%dma_start3A_77 : memref<640x128xf32, #tpu.memory_space<vmem_shared>>) target(%dma_start3A_75 : memref<640x128xf32, #tpu.memory_space<hbm>>) target_semaphore(%run_scoped3A : memref<!tpu.dma_semaphore, #tpu.memory_space<semaphore_mem>>)
      %dma_wait3A = arith.constant 0 : i32
      %dma_wait3A_78 = tpu.memref_slice %arg5[%arg0, %mul3A_33, %dma_wait3A] : memref<2x10240x128xf32, #tpu.memory_space<hbm>> -> memref<1x640x128xf32, #tpu.memory_space<hbm>>
      %dma_wait3A_79 = tpu.memref_squeeze %dma_wait3A_78 : memref<1x640x128xf32, #tpu.memory_space<hbm>> -> memref<640x128xf32, #tpu.memory_space<hbm>>
      %dma_wait3A_80 = arith.constant 0 : i32
      %dma_wait3A_81 = tpu.memref_slice %arg7[%mul3A_33, %dma_wait3A_80] : memref<10240x128xf32, #tpu.memory_space<vmem_shared>> -> memref<640x128xf32, #tpu.memory_space<vmem_shared>>
      tpu.wait_dma2 semaphore(%run_scoped3A : memref<!tpu.dma_semaphore, #tpu.memory_space<semaphore_mem>>) src(%dma_wait3A_81 : memref<640x128xf32, #tpu.memory_space<vmem_shared>>) dst(%dma_wait3A_79 : memref<640x128xf32, #tpu.memory_space<hbm>>)
      tpu.yield
    }) : () -> ()
    "tpu.region"() ({
      %run_scoped3A = tpu.sem_alloc : memref<!tpu.dma_semaphore, #tpu.memory_space<semaphore_mem>>
      %dma_start3A = tpu.memref_slice %arg6[%arg0, %mul3A_33] : memref<2x10240xf32, #tpu.memory_space<hbm>> -> memref<1x640xf32, #tpu.memory_space<hbm>>
      %dma_start3A_74 = tpu.memref_squeeze %dma_start3A : memref<1x640xf32, #tpu.memory_space<hbm>> -> memref<640xf32, #tpu.memory_space<hbm>>
      %dma_start3A_75 = tpu.memref_slice %arg8[%mul3A_33] : memref<10240xf32, #tpu.memory_space<vmem_shared>> -> memref<640xf32, #tpu.memory_space<vmem_shared>>
      tpu.enqueue_dma source(%dma_start3A_75 : memref<640xf32, #tpu.memory_space<vmem_shared>>) target(%dma_start3A_74 : memref<640xf32, #tpu.memory_space<hbm>>) target_semaphore(%run_scoped3A : memref<!tpu.dma_semaphore, #tpu.memory_space<semaphore_mem>>)
      %dma_wait3A = tpu.memref_slice %arg6[%arg0, %mul3A_33] : memref<2x10240xf32, #tpu.memory_space<hbm>> -> memref<1x640xf32, #tpu.memory_space<hbm>>
      %dma_wait3A_76 = tpu.memref_squeeze %dma_wait3A : memref<1x640xf32, #tpu.memory_space<hbm>> -> memref<640xf32, #tpu.memory_space<hbm>>
      %dma_wait3A_77 = tpu.memref_slice %arg8[%mul3A_33] : memref<10240xf32, #tpu.memory_space<vmem_shared>> -> memref<640xf32, #tpu.memory_space<vmem_shared>>
      tpu.wait_dma2 semaphore(%run_scoped3A : memref<!tpu.dma_semaphore, #tpu.memory_space<semaphore_mem>>) src(%dma_wait3A_77 : memref<640xf32, #tpu.memory_space<vmem_shared>>) dst(%dma_wait3A_76 : memref<640xf32, #tpu.memory_space<hbm>>)
      tpu.yield
    }) : () -> ()
    return
  }
}

#map = affine_map<(d0, d1) -> (0, 0)>
#map1 = affine_map<(d0, d1) -> (0, 0, 0)>
module attributes {stable_mosaic.version = 14 : i64} {
  func.func @sc_segment_mean(%arg0: i32, %arg1: i32, %arg2: memref<10000x128xf32, #tpu.memory_space<hbm>>, %arg3: memref<2560x128xi32, #tpu.memory_space<hbm>>, %arg4: memref<2560x128xi32, #tpu.memory_space<hbm>>, %arg5: memref<2x10240x128xf32, #tpu.memory_space<hbm>>, %arg6: memref<10240x128xf32, #tpu.memory_space<vmem_shared>>, %arg7: memref<10240xf32, #tpu.memory_space<vmem_shared>>, %arg8: memref<8x128xi32, #tpu.memory_space<vmem>>, %arg9: memref<8x128xi32, #tpu.memory_space<vmem>>, %arg10: memref<128x128xf32, #tpu.memory_space<vmem>>, %arg11: memref<128x128xf32, #tpu.memory_space<vmem>>, %arg12: memref<128xf32, #tpu.memory_space<vmem>>, %arg13: memref<640xf32, #tpu.memory_space<vmem>>, %arg14: memref<!tpu.dma_semaphore, #tpu.memory_space<semaphore_mem>>, %arg15: memref<!tpu.dma_semaphore, #tpu.memory_space<semaphore_mem>>, %arg16: memref<!tpu.dma_semaphore, #tpu.memory_space<semaphore_mem>>, %arg17: memref<!tpu.dma_semaphore, #tpu.memory_space<semaphore_mem>>, %arg18: memref<!tpu.dma_semaphore, #tpu.memory_space<semaphore_mem>>) attributes {dimension_semantics = [#tpu.dimension_semantics<core_parallel>, #tpu.dimension_semantics<subcore_parallel>], iteration_bounds = array<i64: 2, 16>, scalar_prefetch = 0 : i64, scratch_operands = 13 : i64, tpu.core_type = #tpu.core_type<sc_vector_subcore>, window_params = [{transform_indices = #map}, {transform_indices = #map}, {transform_indices = #map}, {transform_indices = #map1}]} {
    %eq3A = arith.constant 0 : i32
    %eq3A_0 = arith.cmpi eq, %arg0, %eq3A : i32
    %jit3A = arith.constant 152 : i32
    %jit3A_1 = arith.constant 8 : i32
    %select_n3A = arith.select %eq3A_0, %jit3A, %jit3A_1 : i32
    %eq3A_2 = arith.constant 0 : i32
    %eq3A_3 = arith.cmpi eq, %arg0, %eq3A_2 : i32
    %mul3A = arith.constant 152 : i32
    %mul3A_4 = arith.muli %arg1, %mul3A : i32
    %mul3A_5 = arith.constant 8 : i32
    %mul3A_6 = arith.muli %arg1, %mul3A_5 : i32
    %add3A = arith.constant 2432 : i32
    %add3A_7 = arith.addi %add3A, %mul3A_6 : i32
    %select_n3A_8 = arith.select %eq3A_3, %mul3A_4, %add3A_7 : i32
    %broadcast_in_dim3A = arith.constant 0.000000e+00 : f32
    %broadcast_in_dim3A_9 = vector.broadcast %broadcast_in_dim3A : f32 to vector<16xf32>
    %broadcast_in_dim3A_10 = arith.constant 1.000000e+00 : f32
    %broadcast_in_dim3A_11 = vector.broadcast %broadcast_in_dim3A_10 : f32 to vector<16xf32>
    %scan3A = arith.constant 0 : i32
    %scan3A_12 = arith.constant 0 : i32
    %scan3A_13 = arith.constant 128 : i32
    %scan3A_14 = arith.addi %scan3A_12, %scan3A_13 : i32
    %scan3A_15 = arith.constant 1 : i32
    %scan3A_16 = scf.for %scan3A_74 = %scan3A_12 to %scan3A_14 step %scan3A_15 iter_args(%scan3A_75 = %scan3A) -> (i32)  : i32 {
      %scan3A_76 = arith.constant 0 : i32
      %scan3A_77 = arith.constant 0 : i32
      %scan3A_78 = arith.constant 8 : i32
      %scan3A_79 = arith.addi %scan3A_77, %scan3A_78 : i32
      %scan3A_80 = arith.constant 1 : i32
      %scan3A_81 = scf.for %scan3A_83 = %scan3A_77 to %scan3A_79 step %scan3A_80 iter_args(%scan3A_84 = %scan3A_76) -> (i32)  : i32 {
        %mul3A_85 = arith.constant 16 : i32
        %mul3A_86 = arith.muli %scan3A_83, %mul3A_85 : i32
        %swap3A = arith.index_cast %scan3A_74 : i32 to index
        %swap3A_87 = arith.index_cast %mul3A_86 : i32 to index
        %swap3A_88 = tpu.vector_load %arg10[%swap3A, %swap3A_87] {strides = array<i32>} : memref<128x128xf32, #tpu.memory_space<vmem>>, vector<1x16xf32>,
        %swap3A_89 = vector.shape_cast %swap3A_88 : vector<1x16xf32> to vector<16xf32>
        %swap3A_90 = vector.shape_cast %broadcast_in_dim3A_9 : vector<16xf32> to vector<1x16xf32>
        tpu.vector_store %arg10[%swap3A, %swap3A_87], %swap3A_90 {strides = array<i32>} : memref<128x128xf32, #tpu.memory_space<vmem>>, vector<1x16xf32>,
        %scan3A_91 = arith.constant 0 : i32
        scf.yield %scan3A_91 : i32
      }
      %scan3A_82 = arith.constant 8 : i32
      scf.yield %scan3A_81 : i32
    }
    %scan3A_17 = arith.constant 128 : i32
    %scan3A_18 = arith.constant 0 : i32
    %scan3A_19 = arith.constant 0 : i32
    %scan3A_20 = arith.constant 8 : i32
    %scan3A_21 = arith.addi %scan3A_19, %scan3A_20 : i32
    %scan3A_22 = arith.constant 1 : i32
    %scan3A_23 = scf.for %scan3A_74 = %scan3A_19 to %scan3A_21 step %scan3A_22 iter_args(%scan3A_75 = %scan3A_18) -> (i32)  : i32 {
      %mul3A_76 = arith.constant 16 : i32
      %mul3A_77 = arith.muli %scan3A_74, %mul3A_76 : i32
      %swap3A = arith.index_cast %mul3A_77 : i32 to index
      %swap3A_78 = tpu.vector_load %arg12[%swap3A] {strides = array<i32>} : memref<128xf32, #tpu.memory_space<vmem>>, vector<16xf32>,
      %swap3A_79 = vector.shape_cast %swap3A_78 : vector<16xf32> to vector<16xf32>
      %swap3A_80 = vector.shape_cast %broadcast_in_dim3A_11 : vector<16xf32> to vector<16xf32>
      tpu.vector_store %arg12[%swap3A], %swap3A_80 {strides = array<i32>} : memref<128xf32, #tpu.memory_space<vmem>>, vector<16xf32>,
      %scan3A_81 = arith.constant 0 : i32
      scf.yield %scan3A_81 : i32
    }
    %scan3A_24 = arith.constant 8 : i32
    %scan3A_25 = arith.constant 0 : i32
    %scan3A_26 = arith.constant 0 : i32
    %scan3A_27 = arith.constant 40 : i32
    %scan3A_28 = arith.addi %scan3A_26, %scan3A_27 : i32
    %scan3A_29 = arith.constant 1 : i32
    %scan3A_30 = scf.for %scan3A_74 = %scan3A_26 to %scan3A_28 step %scan3A_29 iter_args(%scan3A_75 = %scan3A_25) -> (i32)  : i32 {
      %mul3A_76 = arith.constant 16 : i32
      %mul3A_77 = arith.muli %scan3A_74, %mul3A_76 : i32
      %swap3A = arith.index_cast %mul3A_77 : i32 to index
      %swap3A_78 = tpu.vector_load %arg13[%swap3A] {strides = array<i32>} : memref<640xf32, #tpu.memory_space<vmem>>, vector<16xf32>,
      %swap3A_79 = vector.shape_cast %swap3A_78 : vector<16xf32> to vector<16xf32>
      %swap3A_80 = vector.shape_cast %broadcast_in_dim3A_9 : vector<16xf32> to vector<16xf32>
      tpu.vector_store %arg13[%swap3A], %swap3A_80 {strides = array<i32>} : memref<640xf32, #tpu.memory_space<vmem>>, vector<16xf32>,
      %scan3A_81 = arith.constant 0 : i32
      scf.yield %scan3A_81 : i32
    }
    %scan3A_31 = arith.constant 40 : i32
    %mul3A_32 = arith.constant 640 : i32
    %mul3A_33 = arith.muli %arg1, %mul3A_32 : i32
    %add3A_34 = arith.constant 0 : i32
    %add3A_35 = arith.addi %mul3A_33, %add3A_34 : i32
    "tpu.region"() ({
      %run_scoped3A = tpu.sem_alloc : memref<!tpu.dma_semaphore, #tpu.memory_space<semaphore_mem>>
      %dma_start3A = arith.constant 0 : i32
      %dma_start3A_74 = tpu.memref_slice %arg6[%add3A_35, %dma_start3A] : memref<10240x128xf32, #tpu.memory_space<vmem_shared>> -> memref<128x128xf32, #tpu.memory_space<vmem_shared>>
      %dma_start3A_75 = arith.constant 0 : i32
      %dma_start3A_76 = tpu.memref_slice %arg6[%add3A_35, %dma_start3A_75] : memref<10240x128xf32, #tpu.memory_space<vmem_shared>> -> memref<128x128xf32, #tpu.memory_space<vmem_shared>>
      tpu.enqueue_dma source(%arg10 : memref<128x128xf32, #tpu.memory_space<vmem>>) target(%dma_start3A_76 : memref<128x128xf32, #tpu.memory_space<vmem_shared>>) target_semaphore(%run_scoped3A : memref<!tpu.dma_semaphore, #tpu.memory_space<semaphore_mem>>)
      %dma_wait3A = arith.constant 0 : i32
      %dma_wait3A_77 = tpu.memref_slice %arg6[%add3A_35, %dma_wait3A] : memref<10240x128xf32, #tpu.memory_space<vmem_shared>> -> memref<128x128xf32, #tpu.memory_space<vmem_shared>>
      %dma_wait3A_78 = arith.constant 0 : i32
      %dma_wait3A_79 = tpu.memref_slice %arg6[%add3A_35, %dma_wait3A_78] : memref<10240x128xf32, #tpu.memory_space<vmem_shared>> -> memref<128x128xf32, #tpu.memory_space<vmem_shared>>
      tpu.wait_dma2 semaphore(%run_scoped3A : memref<!tpu.dma_semaphore, #tpu.memory_space<semaphore_mem>>) src(%arg10 : memref<128x128xf32, #tpu.memory_space<vmem>>) dst(%dma_wait3A_79 : memref<128x128xf32, #tpu.memory_space<vmem_shared>>)
      tpu.yield
    }) : () -> ()
    %add3A_36 = arith.constant 128 : i32
    %add3A_37 = arith.addi %mul3A_33, %add3A_36 : i32
    "tpu.region"() ({
      %run_scoped3A = tpu.sem_alloc : memref<!tpu.dma_semaphore, #tpu.memory_space<semaphore_mem>>
      %dma_start3A = arith.constant 0 : i32
      %dma_start3A_74 = tpu.memref_slice %arg6[%add3A_37, %dma_start3A] : memref<10240x128xf32, #tpu.memory_space<vmem_shared>> -> memref<128x128xf32, #tpu.memory_space<vmem_shared>>
      %dma_start3A_75 = arith.constant 0 : i32
      %dma_start3A_76 = tpu.memref_slice %arg6[%add3A_37, %dma_start3A_75] : memref<10240x128xf32, #tpu.memory_space<vmem_shared>> -> memref<128x128xf32, #tpu.memory_space<vmem_shared>>
      tpu.enqueue_dma source(%arg10 : memref<128x128xf32, #tpu.memory_space<vmem>>) target(%dma_start3A_76 : memref<128x128xf32, #tpu.memory_space<vmem_shared>>) target_semaphore(%run_scoped3A : memref<!tpu.dma_semaphore, #tpu.memory_space<semaphore_mem>>)
      %dma_wait3A = arith.constant 0 : i32
      %dma_wait3A_77 = tpu.memref_slice %arg6[%add3A_37, %dma_wait3A] : memref<10240x128xf32, #tpu.memory_space<vmem_shared>> -> memref<128x128xf32, #tpu.memory_space<vmem_shared>>
      %dma_wait3A_78 = arith.constant 0 : i32
      %dma_wait3A_79 = tpu.memref_slice %arg6[%add3A_37, %dma_wait3A_78] : memref<10240x128xf32, #tpu.memory_space<vmem_shared>> -> memref<128x128xf32, #tpu.memory_space<vmem_shared>>
      tpu.wait_dma2 semaphore(%run_scoped3A : memref<!tpu.dma_semaphore, #tpu.memory_space<semaphore_mem>>) src(%arg10 : memref<128x128xf32, #tpu.memory_space<vmem>>) dst(%dma_wait3A_79 : memref<128x128xf32, #tpu.memory_space<vmem_shared>>)
      tpu.yield
    }) : () -> ()
    %add3A_38 = arith.constant 256 : i32
    %add3A_39 = arith.addi %mul3A_33, %add3A_38 : i32
    "tpu.region"() ({
      %run_scoped3A = tpu.sem_alloc : memref<!tpu.dma_semaphore, #tpu.memory_space<semaphore_mem>>
      %dma_start3A = arith.constant 0 : i32
      %dma_start3A_74 = tpu.memref_slice %arg6[%add3A_39, %dma_start3A] : memref<10240x128xf32, #tpu.memory_space<vmem_shared>> -> memref<128x128xf32, #tpu.memory_space<vmem_shared>>
      %dma_start3A_75 = arith.constant 0 : i32
      %dma_start3A_76 = tpu.memref_slice %arg6[%add3A_39, %dma_start3A_75] : memref<10240x128xf32, #tpu.memory_space<vmem_shared>> -> memref<128x128xf32, #tpu.memory_space<vmem_shared>>
      tpu.enqueue_dma source(%arg10 : memref<128x128xf32, #tpu.memory_space<vmem>>) target(%dma_start3A_76 : memref<128x128xf32, #tpu.memory_space<vmem_shared>>) target_semaphore(%run_scoped3A : memref<!tpu.dma_semaphore, #tpu.memory_space<semaphore_mem>>)
      %dma_wait3A = arith.constant 0 : i32
      %dma_wait3A_77 = tpu.memref_slice %arg6[%add3A_39, %dma_wait3A] : memref<10240x128xf32, #tpu.memory_space<vmem_shared>> -> memref<128x128xf32, #tpu.memory_space<vmem_shared>>
      %dma_wait3A_78 = arith.constant 0 : i32
      %dma_wait3A_79 = tpu.memref_slice %arg6[%add3A_39, %dma_wait3A_78] : memref<10240x128xf32, #tpu.memory_space<vmem_shared>> -> memref<128x128xf32, #tpu.memory_space<vmem_shared>>
      tpu.wait_dma2 semaphore(%run_scoped3A : memref<!tpu.dma_semaphore, #tpu.memory_space<semaphore_mem>>) src(%arg10 : memref<128x128xf32, #tpu.memory_space<vmem>>) dst(%dma_wait3A_79 : memref<128x128xf32, #tpu.memory_space<vmem_shared>>)
      tpu.yield
    }) : () -> ()
    %add3A_40 = arith.constant 384 : i32
    %add3A_41 = arith.addi %mul3A_33, %add3A_40 : i32
    "tpu.region"() ({
      %run_scoped3A = tpu.sem_alloc : memref<!tpu.dma_semaphore, #tpu.memory_space<semaphore_mem>>
      %dma_start3A = arith.constant 0 : i32
      %dma_start3A_74 = tpu.memref_slice %arg6[%add3A_41, %dma_start3A] : memref<10240x128xf32, #tpu.memory_space<vmem_shared>> -> memref<128x128xf32, #tpu.memory_space<vmem_shared>>
      %dma_start3A_75 = arith.constant 0 : i32
      %dma_start3A_76 = tpu.memref_slice %arg6[%add3A_41, %dma_start3A_75] : memref<10240x128xf32, #tpu.memory_space<vmem_shared>> -> memref<128x128xf32, #tpu.memory_space<vmem_shared>>
      tpu.enqueue_dma source(%arg10 : memref<128x128xf32, #tpu.memory_space<vmem>>) target(%dma_start3A_76 : memref<128x128xf32, #tpu.memory_space<vmem_shared>>) target_semaphore(%run_scoped3A : memref<!tpu.dma_semaphore, #tpu.memory_space<semaphore_mem>>)
      %dma_wait3A = arith.constant 0 : i32
      %dma_wait3A_77 = tpu.memref_slice %arg6[%add3A_41, %dma_wait3A] : memref<10240x128xf32, #tpu.memory_space<vmem_shared>> -> memref<128x128xf32, #tpu.memory_space<vmem_shared>>
      %dma_wait3A_78 = arith.constant 0 : i32
      %dma_wait3A_79 = tpu.memref_slice %arg6[%add3A_41, %dma_wait3A_78] : memref<10240x128xf32, #tpu.memory_space<vmem_shared>> -> memref<128x128xf32, #tpu.memory_space<vmem_shared>>
      tpu.wait_dma2 semaphore(%run_scoped3A : memref<!tpu.dma_semaphore, #tpu.memory_space<semaphore_mem>>) src(%arg10 : memref<128x128xf32, #tpu.memory_space<vmem>>) dst(%dma_wait3A_79 : memref<128x128xf32, #tpu.memory_space<vmem_shared>>)
      tpu.yield
    }) : () -> ()
    %add3A_42 = arith.constant 512 : i32
    %add3A_43 = arith.addi %mul3A_33, %add3A_42 : i32
    "tpu.region"() ({
      %run_scoped3A = tpu.sem_alloc : memref<!tpu.dma_semaphore, #tpu.memory_space<semaphore_mem>>
      %dma_start3A = arith.constant 0 : i32
      %dma_start3A_74 = tpu.memref_slice %arg6[%add3A_43, %dma_start3A] : memref<10240x128xf32, #tpu.memory_space<vmem_shared>> -> memref<128x128xf32, #tpu.memory_space<vmem_shared>>
      %dma_start3A_75 = arith.constant 0 : i32
      %dma_start3A_76 = tpu.memref_slice %arg6[%add3A_43, %dma_start3A_75] : memref<10240x128xf32, #tpu.memory_space<vmem_shared>> -> memref<128x128xf32, #tpu.memory_space<vmem_shared>>
      tpu.enqueue_dma source(%arg10 : memref<128x128xf32, #tpu.memory_space<vmem>>) target(%dma_start3A_76 : memref<128x128xf32, #tpu.memory_space<vmem_shared>>) target_semaphore(%run_scoped3A : memref<!tpu.dma_semaphore, #tpu.memory_space<semaphore_mem>>)
      %dma_wait3A = arith.constant 0 : i32
      %dma_wait3A_77 = tpu.memref_slice %arg6[%add3A_43, %dma_wait3A] : memref<10240x128xf32, #tpu.memory_space<vmem_shared>> -> memref<128x128xf32, #tpu.memory_space<vmem_shared>>
      %dma_wait3A_78 = arith.constant 0 : i32
      %dma_wait3A_79 = tpu.memref_slice %arg6[%add3A_43, %dma_wait3A_78] : memref<10240x128xf32, #tpu.memory_space<vmem_shared>> -> memref<128x128xf32, #tpu.memory_space<vmem_shared>>
      tpu.wait_dma2 semaphore(%run_scoped3A : memref<!tpu.dma_semaphore, #tpu.memory_space<semaphore_mem>>) src(%arg10 : memref<128x128xf32, #tpu.memory_space<vmem>>) dst(%dma_wait3A_79 : memref<128x128xf32, #tpu.memory_space<vmem_shared>>)
      tpu.yield
    }) : () -> ()
    "tpu.region"() ({
      %run_scoped3A = tpu.sem_alloc : memref<!tpu.dma_semaphore, #tpu.memory_space<semaphore_mem>>
      %dma_start3A = tpu.memref_slice %arg7[%mul3A_33] : memref<10240xf32, #tpu.memory_space<vmem_shared>> -> memref<640xf32, #tpu.memory_space<vmem_shared>>
      %dma_start3A_74 = tpu.memref_slice %arg7[%mul3A_33] : memref<10240xf32, #tpu.memory_space<vmem_shared>> -> memref<640xf32, #tpu.memory_space<vmem_shared>>
      tpu.enqueue_dma source(%arg13 : memref<640xf32, #tpu.memory_space<vmem>>) target(%dma_start3A_74 : memref<640xf32, #tpu.memory_space<vmem_shared>>) target_semaphore(%run_scoped3A : memref<!tpu.dma_semaphore, #tpu.memory_space<semaphore_mem>>)
      %dma_wait3A = tpu.memref_slice %arg7[%mul3A_33] : memref<10240xf32, #tpu.memory_space<vmem_shared>> -> memref<640xf32, #tpu.memory_space<vmem_shared>>
      %dma_wait3A_75 = tpu.memref_slice %arg7[%mul3A_33] : memref<10240xf32, #tpu.memory_space<vmem_shared>> -> memref<640xf32, #tpu.memory_space<vmem_shared>>
      tpu.wait_dma2 semaphore(%run_scoped3A : memref<!tpu.dma_semaphore, #tpu.memory_space<semaphore_mem>>) src(%arg13 : memref<640xf32, #tpu.memory_space<vmem>>) dst(%dma_wait3A_75 : memref<640xf32, #tpu.memory_space<vmem_shared>>)
      tpu.yield
    }) : () -> ()
    %barrier3A = arith.constant 0 : index
    tpu.barrier barrier_id(%barrier3A)
    %jit3A_44 = arith.constant 8 : i32
    %div3A = arith.divsi %select_n3A, %jit3A_44 : i32
    %sign3A = arith.constant 0 : i32
    %sign3A_45 = arith.cmpi sgt, %select_n3A, %sign3A : i32
    %sign3A_46 = arith.extui %sign3A_45 : i1 to i32
    %sign3A_47 = arith.constant 0 : i32
    %sign3A_48 = arith.cmpi slt, %select_n3A, %sign3A_47 : i32
    %sign3A_49 = arith.extui %sign3A_48 : i1 to i32
    %sign3A_50 = arith.subi %sign3A_46, %sign3A_49 : i32
    %sign3A_51 = arith.constant 0 : i32
    %sign3A_52 = arith.cmpi sgt, %jit3A_44, %sign3A_51 : i32
    %sign3A_53 = arith.extui %sign3A_52 : i1 to i32
    %sign3A_54 = arith.constant 0 : i32
    %sign3A_55 = arith.cmpi slt, %jit3A_44, %sign3A_54 : i32
    %sign3A_56 = arith.extui %sign3A_55 : i1 to i32
    %sign3A_57 = arith.subi %sign3A_53, %sign3A_56 : i32
    %ne3A = arith.cmpi ne, %sign3A_50, %sign3A_57 : i32
    %rem3A = arith.remsi %select_n3A, %jit3A_44 : i32
    %ne3A_58 = arith.constant 0 : i32
    %ne3A_59 = arith.cmpi ne, %rem3A, %ne3A_58 : i32
    %and3A = arith.andi %ne3A, %ne3A_59 : i1
    %sub3A = arith.constant 1 : i32
    %sub3A_60 = arith.subi %div3A, %sub3A : i32
    %select_n3A_61 = arith.select %and3A, %sub3A_60, %div3A : i32
    %while3A = arith.constant 0 : i32
    %while3A_62 = arith.constant 0 : i32
    %while3A_63 = arith.subi %select_n3A_61, %while3A : i32
    %while3A_64 = arith.addi %while3A, %while3A_63 : i32
    %while3A_65 = arith.constant 1 : i32
    %while3A_66 = arith.divsi %while3A_63, %while3A_65 : i32
    %while3A_67 = arith.muli %while3A_66, %while3A_65 : i32
    %while3A_68 = arith.addi %while3A, %while3A_67 : i32
    %while3A_69 = arith.constant 1 : i32
    %while3A_70 = scf.for %while3A_74 = %while3A to %while3A_68 step %while3A_69 iter_args(%while3A_75 = %while3A_62) -> (i32)  : i32 {
      %mul3A_76 = arith.constant 8 : i32
      %mul3A_77 = arith.muli %while3A_74, %mul3A_76 : i32
      %add3A_78 = arith.addi %select_n3A_8, %mul3A_77 : i32
      "tpu.region"() ({
        %run_scoped3A = tpu.sem_alloc : memref<!tpu.dma_semaphore, #tpu.memory_space<semaphore_mem>>
        %dma_start3A_116 = arith.constant 0 : i32
        %dma_start3A_117 = tpu.memref_slice %arg3[%add3A_78, %dma_start3A_116] : memref<2560x128xi32, #tpu.memory_space<hbm>> -> memref<8x128xi32, #tpu.memory_space<hbm>>
        %dma_start3A_118 = arith.constant 0 : i32
        %dma_start3A_119 = tpu.memref_slice %arg3[%add3A_78, %dma_start3A_118] : memref<2560x128xi32, #tpu.memory_space<hbm>> -> memref<8x128xi32, #tpu.memory_space<hbm>>
        tpu.enqueue_dma source(%dma_start3A_119 : memref<8x128xi32, #tpu.memory_space<hbm>>) target(%arg8 : memref<8x128xi32, #tpu.memory_space<vmem>>) target_semaphore(%run_scoped3A : memref<!tpu.dma_semaphore, #tpu.memory_space<semaphore_mem>>)
        %dma_wait3A_120 = arith.constant 0 : i32
        %dma_wait3A_121 = tpu.memref_slice %arg3[%add3A_78, %dma_wait3A_120] : memref<2560x128xi32, #tpu.memory_space<hbm>> -> memref<8x128xi32, #tpu.memory_space<hbm>>
        %dma_wait3A_122 = arith.constant 0 : i32
        %dma_wait3A_123 = tpu.memref_slice %arg3[%add3A_78, %dma_wait3A_122] : memref<2560x128xi32, #tpu.memory_space<hbm>> -> memref<8x128xi32, #tpu.memory_space<hbm>>
        tpu.wait_dma2 semaphore(%run_scoped3A : memref<!tpu.dma_semaphore, #tpu.memory_space<semaphore_mem>>) src(%dma_wait3A_123 : memref<8x128xi32, #tpu.memory_space<hbm>>) dst(%arg8 : memref<8x128xi32, #tpu.memory_space<vmem>>)
        tpu.yield
      }) : () -> ()
      %mul3A_79 = arith.constant 8 : i32
      %mul3A_80 = arith.muli %while3A_74, %mul3A_79 : i32
      %add3A_81 = arith.addi %select_n3A_8, %mul3A_80 : i32
      "tpu.region"() ({
        %run_scoped3A = tpu.sem_alloc : memref<!tpu.dma_semaphore, #tpu.memory_space<semaphore_mem>>
        %dma_start3A_116 = arith.constant 0 : i32
        %dma_start3A_117 = tpu.memref_slice %arg4[%add3A_81, %dma_start3A_116] : memref<2560x128xi32, #tpu.memory_space<hbm>> -> memref<8x128xi32, #tpu.memory_space<hbm>>
        %dma_start3A_118 = arith.constant 0 : i32
        %dma_start3A_119 = tpu.memref_slice %arg4[%add3A_81, %dma_start3A_118] : memref<2560x128xi32, #tpu.memory_space<hbm>> -> memref<8x128xi32, #tpu.memory_space<hbm>>
        tpu.enqueue_dma source(%dma_start3A_119 : memref<8x128xi32, #tpu.memory_space<hbm>>) target(%arg9 : memref<8x128xi32, #tpu.memory_space<vmem>>) target_semaphore(%run_scoped3A : memref<!tpu.dma_semaphore, #tpu.memory_space<semaphore_mem>>)
        %dma_wait3A_120 = arith.constant 0 : i32
        %dma_wait3A_121 = tpu.memref_slice %arg4[%add3A_81, %dma_wait3A_120] : memref<2560x128xi32, #tpu.memory_space<hbm>> -> memref<8x128xi32, #tpu.memory_space<hbm>>
        %dma_wait3A_122 = arith.constant 0 : i32
        %dma_wait3A_123 = tpu.memref_slice %arg4[%add3A_81, %dma_wait3A_122] : memref<2560x128xi32, #tpu.memory_space<hbm>> -> memref<8x128xi32, #tpu.memory_space<hbm>>
        tpu.wait_dma2 semaphore(%run_scoped3A : memref<!tpu.dma_semaphore, #tpu.memory_space<semaphore_mem>>) src(%dma_wait3A_123 : memref<8x128xi32, #tpu.memory_space<hbm>>) dst(%arg9 : memref<8x128xi32, #tpu.memory_space<vmem>>)
        tpu.yield
      }) : () -> ()
      %dma_start3A = arith.constant 0 : i32
      %dma_start3A_82 = arith.constant 0 : i32
      %dma_start3A_83 = tpu.memref_slice %arg8[%dma_start3A, %dma_start3A_82] : memref<8x128xi32, #tpu.memory_space<vmem>> -> memref<1x128xi32, #tpu.memory_space<vmem>>
      %dma_start3A_84 = tpu.memref_squeeze %dma_start3A_83 : memref<1x128xi32, #tpu.memory_space<vmem>> -> memref<128xi32, #tpu.memory_space<vmem>>
      %dma_start3A_85 = arith.constant 0 : i32
      %dma_start3A_86 = arith.constant 0 : i32
      %dma_start3A_87 = tpu.memref_slice %arg2[%dma_start3A_85, %dma_start3A_86] : memref<10000x128xf32, #tpu.memory_space<hbm>> -> memref<10000x128xf32, #tpu.memory_space<hbm>>
      tpu.enqueue_indirect_dma source(%dma_start3A_87 : memref<10000x128xf32, #tpu.memory_space<hbm>>) target(%arg10 : memref<128x128xf32, #tpu.memory_space<vmem>>) offsets(%dma_start3A_84 : memref<128xi32, #tpu.memory_space<vmem>>) semaphore(%arg14 : memref<!tpu.dma_semaphore, #tpu.memory_space<semaphore_mem>>)
      %dma_start3A_88 = arith.constant 1 : i32
      %dma_start3A_89 = arith.constant 0 : i32
      %dma_start3A_90 = tpu.memref_slice %arg8[%dma_start3A_88, %dma_start3A_89] : memref<8x128xi32, #tpu.memory_space<vmem>> -> memref<1x128xi32, #tpu.memory_space<vmem>>
      %dma_start3A_91 = tpu.memref_squeeze %dma_start3A_90 : memref<1x128xi32, #tpu.memory_space<vmem>> -> memref<128xi32, #tpu.memory_space<vmem>>
      %dma_start3A_92 = arith.constant 0 : i32
      %dma_start3A_93 = arith.constant 0 : i32
      %dma_start3A_94 = tpu.memref_slice %arg2[%dma_start3A_92, %dma_start3A_93] : memref<10000x128xf32, #tpu.memory_space<hbm>> -> memref<10000x128xf32, #tpu.memory_space<hbm>>
      tpu.enqueue_indirect_dma source(%dma_start3A_94 : memref<10000x128xf32, #tpu.memory_space<hbm>>) target(%arg11 : memref<128x128xf32, #tpu.memory_space<vmem>>) offsets(%dma_start3A_91 : memref<128xi32, #tpu.memory_space<vmem>>) semaphore(%arg15 : memref<!tpu.dma_semaphore, #tpu.memory_space<semaphore_mem>>)
      %scan3A_95 = arith.constant 0 : i32
      %scan3A_96 = arith.constant 0 : i32
      %scan3A_97 = arith.constant 4 : i32
      %scan3A_98 = arith.addi %scan3A_96, %scan3A_97 : i32
      %scan3A_99 = arith.constant 1 : i32
      %scan3A_100 = scf.for %scan3A_116 = %scan3A_96 to %scan3A_98 step %scan3A_99 iter_args(%scan3A_117 = %scan3A_95) -> (i32)  : i32 {
        %mul3A_118 = arith.constant 2 : i32
        %mul3A_119 = arith.muli %scan3A_116, %mul3A_118 : i32
        %add3A_120 = arith.constant 1 : i32
        %add3A_121 = arith.addi %mul3A_119, %add3A_120 : i32
        %dma_wait3A_122 = arith.constant 0 : i32
        %dma_wait3A_123 = tpu.memref_slice %arg8[%mul3A_119, %dma_wait3A_122] : memref<8x128xi32, #tpu.memory_space<vmem>> -> memref<1x128xi32, #tpu.memory_space<vmem>>
        %dma_wait3A_124 = tpu.memref_squeeze %dma_wait3A_123 : memref<1x128xi32, #tpu.memory_space<vmem>> -> memref<128xi32, #tpu.memory_space<vmem>>
        %dma_wait3A_125 = arith.constant 0 : i32
        %dma_wait3A_126 = arith.constant 0 : i32
        %dma_wait3A_127 = tpu.memref_slice %arg2[%dma_wait3A_125, %dma_wait3A_126] : memref<10000x128xf32, #tpu.memory_space<hbm>> -> memref<10000x128xf32, #tpu.memory_space<hbm>>
        tpu.wait_indirect_dma semaphore(%arg14 : memref<!tpu.dma_semaphore, #tpu.memory_space<semaphore_mem>>) src(%dma_wait3A_127 : memref<10000x128xf32, #tpu.memory_space<hbm>>) dst(%arg10 : memref<128x128xf32, #tpu.memory_space<vmem>>)
        %dma_start3A_128 = arith.constant 0 : i32
        %dma_start3A_129 = tpu.memref_slice %arg9[%mul3A_119, %dma_start3A_128] : memref<8x128xi32, #tpu.memory_space<vmem>> -> memref<1x128xi32, #tpu.memory_space<vmem>>
        %dma_start3A_130 = tpu.memref_squeeze %dma_start3A_129 : memref<1x128xi32, #tpu.memory_space<vmem>> -> memref<128xi32, #tpu.memory_space<vmem>>
        %dma_start3A_131 = arith.constant 0 : i32
        %dma_start3A_132 = arith.constant 0 : i32
        %dma_start3A_133 = tpu.memref_slice %arg6[%dma_start3A_131, %dma_start3A_132] : memref<10240x128xf32, #tpu.memory_space<vmem_shared>> -> memref<10240x128xf32, #tpu.memory_space<vmem_shared>>
        tpu.enqueue_indirect_dma source(%arg10 : memref<128x128xf32, #tpu.memory_space<vmem>>) target(%dma_start3A_133 : memref<10240x128xf32, #tpu.memory_space<vmem_shared>>) offsets(%dma_start3A_130 : memref<128xi32, #tpu.memory_space<vmem>>) semaphore(%arg16 : memref<!tpu.dma_semaphore, #tpu.memory_space<semaphore_mem>>) {add = true}
        %dma_wait3A_134 = arith.constant 0 : i32
        %dma_wait3A_135 = tpu.memref_slice %arg8[%add3A_121, %dma_wait3A_134] : memref<8x128xi32, #tpu.memory_space<vmem>> -> memref<1x128xi32, #tpu.memory_space<vmem>>
        %dma_wait3A_136 = tpu.memref_squeeze %dma_wait3A_135 : memref<1x128xi32, #tpu.memory_space<vmem>> -> memref<128xi32, #tpu.memory_space<vmem>>
        %dma_wait3A_137 = arith.constant 0 : i32
        %dma_wait3A_138 = arith.constant 0 : i32
        %dma_wait3A_139 = tpu.memref_slice %arg2[%dma_wait3A_137, %dma_wait3A_138] : memref<10000x128xf32, #tpu.memory_space<hbm>> -> memref<10000x128xf32, #tpu.memory_space<hbm>>
        tpu.wait_indirect_dma semaphore(%arg15 : memref<!tpu.dma_semaphore, #tpu.memory_space<semaphore_mem>>) src(%dma_wait3A_139 : memref<10000x128xf32, #tpu.memory_space<hbm>>) dst(%arg11 : memref<128x128xf32, #tpu.memory_space<vmem>>)
        %add3A_140 = arith.constant 2 : i32
        %add3A_141 = arith.addi %mul3A_119, %add3A_140 : i32
        %lt3A = arith.constant 8 : i32
        %lt3A_142 = arith.cmpi slt, %add3A_141, %lt3A : i32
        %convert_element_type3A = arith.extui %lt3A_142 : i1 to i32
        %cond3A = arith.constant 0 : i32
        %cond3A_143 = arith.cmpi ne, %convert_element_type3A, %cond3A : i32
        scf.if %cond3A_143 {
          %dma_wait3A_158 = arith.constant 0 : i32
          %dma_wait3A_159 = tpu.memref_slice %arg9[%mul3A_119, %dma_wait3A_158] : memref<8x128xi32, #tpu.memory_space<vmem>> -> memref<1x128xi32, #tpu.memory_space<vmem>>
          %dma_wait3A_160 = tpu.memref_squeeze %dma_wait3A_159 : memref<1x128xi32, #tpu.memory_space<vmem>> -> memref<128xi32, #tpu.memory_space<vmem>>
          %dma_wait3A_161 = arith.constant 0 : i32
          %dma_wait3A_162 = arith.constant 0 : i32
          %dma_wait3A_163 = tpu.memref_slice %arg6[%dma_wait3A_161, %dma_wait3A_162] : memref<10240x128xf32, #tpu.memory_space<vmem_shared>> -> memref<10240x128xf32, #tpu.memory_space<vmem_shared>>
          tpu.wait_indirect_dma semaphore(%arg16 : memref<!tpu.dma_semaphore, #tpu.memory_space<semaphore_mem>>) src(%arg10 : memref<128x128xf32, #tpu.memory_space<vmem>>) dst(%dma_wait3A_163 : memref<10240x128xf32, #tpu.memory_space<vmem_shared>>)
          %add3A_164 = arith.constant 2 : i32
          %add3A_165 = arith.addi %mul3A_119, %add3A_164 : i32
          %dma_start3A_166 = arith.constant 0 : i32
          %dma_start3A_167 = tpu.memref_slice %arg8[%add3A_165, %dma_start3A_166] : memref<8x128xi32, #tpu.memory_space<vmem>> -> memref<1x128xi32, #tpu.memory_space<vmem>>
          %dma_start3A_168 = tpu.memref_squeeze %dma_start3A_167 : memref<1x128xi32, #tpu.memory_space<vmem>> -> memref<128xi32, #tpu.memory_space<vmem>>
          %dma_start3A_169 = arith.constant 0 : i32
          %dma_start3A_170 = arith.constant 0 : i32
          %dma_start3A_171 = tpu.memref_slice %arg2[%dma_start3A_169, %dma_start3A_170] : memref<10000x128xf32, #tpu.memory_space<hbm>> -> memref<10000x128xf32, #tpu.memory_space<hbm>>
          tpu.enqueue_indirect_dma source(%dma_start3A_171 : memref<10000x128xf32, #tpu.memory_space<hbm>>) target(%arg10 : memref<128x128xf32, #tpu.memory_space<vmem>>) offsets(%dma_start3A_168 : memref<128xi32, #tpu.memory_space<vmem>>) semaphore(%arg14 : memref<!tpu.dma_semaphore, #tpu.memory_space<semaphore_mem>>)
        } else {
        }
        %dma_start3A_144 = arith.constant 0 : i32
        %dma_start3A_145 = tpu.memref_slice %arg9[%add3A_121, %dma_start3A_144] : memref<8x128xi32, #tpu.memory_space<vmem>> -> memref<1x128xi32, #tpu.memory_space<vmem>>
        %dma_start3A_146 = tpu.memref_squeeze %dma_start3A_145 : memref<1x128xi32, #tpu.memory_space<vmem>> -> memref<128xi32, #tpu.memory_space<vmem>>
        %dma_start3A_147 = arith.constant 0 : i32
        %dma_start3A_148 = arith.constant 0 : i32
        %dma_start3A_149 = tpu.memref_slice %arg6[%dma_start3A_147, %dma_start3A_148] : memref<10240x128xf32, #tpu.memory_space<vmem_shared>> -> memref<10240x128xf32, #tpu.memory_space<vmem_shared>>
        tpu.enqueue_indirect_dma source(%arg11 : memref<128x128xf32, #tpu.memory_space<vmem>>) target(%dma_start3A_149 : memref<10240x128xf32, #tpu.memory_space<vmem_shared>>) offsets(%dma_start3A_146 : memref<128xi32, #tpu.memory_space<vmem>>) semaphore(%arg17 : memref<!tpu.dma_semaphore, #tpu.memory_space<semaphore_mem>>) {add = true}
        %add3A_150 = arith.constant 2 : i32
        %add3A_151 = arith.addi %add3A_121, %add3A_150 : i32
        %lt3A_152 = arith.constant 8 : i32
        %lt3A_153 = arith.cmpi slt, %add3A_151, %lt3A_152 : i32
        %convert_element_type3A_154 = arith.extui %lt3A_153 : i1 to i32
        %cond3A_155 = arith.constant 0 : i32
        %cond3A_156 = arith.cmpi ne, %convert_element_type3A_154, %cond3A_155 : i32
        scf.if %cond3A_156 {
          %dma_wait3A_158 = arith.constant 0 : i32
          %dma_wait3A_159 = tpu.memref_slice %arg9[%add3A_121, %dma_wait3A_158] : memref<8x128xi32, #tpu.memory_space<vmem>> -> memref<1x128xi32, #tpu.memory_space<vmem>>
          %dma_wait3A_160 = tpu.memref_squeeze %dma_wait3A_159 : memref<1x128xi32, #tpu.memory_space<vmem>> -> memref<128xi32, #tpu.memory_space<vmem>>
          %dma_wait3A_161 = arith.constant 0 : i32
          %dma_wait3A_162 = arith.constant 0 : i32
          %dma_wait3A_163 = tpu.memref_slice %arg6[%dma_wait3A_161, %dma_wait3A_162] : memref<10240x128xf32, #tpu.memory_space<vmem_shared>> -> memref<10240x128xf32, #tpu.memory_space<vmem_shared>>
          tpu.wait_indirect_dma semaphore(%arg17 : memref<!tpu.dma_semaphore, #tpu.memory_space<semaphore_mem>>) src(%arg11 : memref<128x128xf32, #tpu.memory_space<vmem>>) dst(%dma_wait3A_163 : memref<10240x128xf32, #tpu.memory_space<vmem_shared>>)
          %add3A_164 = arith.constant 2 : i32
          %add3A_165 = arith.addi %add3A_121, %add3A_164 : i32
          %dma_start3A_166 = arith.constant 0 : i32
          %dma_start3A_167 = tpu.memref_slice %arg8[%add3A_165, %dma_start3A_166] : memref<8x128xi32, #tpu.memory_space<vmem>> -> memref<1x128xi32, #tpu.memory_space<vmem>>
          %dma_start3A_168 = tpu.memref_squeeze %dma_start3A_167 : memref<1x128xi32, #tpu.memory_space<vmem>> -> memref<128xi32, #tpu.memory_space<vmem>>
          %dma_start3A_169 = arith.constant 0 : i32
          %dma_start3A_170 = arith.constant 0 : i32
          %dma_start3A_171 = tpu.memref_slice %arg2[%dma_start3A_169, %dma_start3A_170] : memref<10000x128xf32, #tpu.memory_space<hbm>> -> memref<10000x128xf32, #tpu.memory_space<hbm>>
          tpu.enqueue_indirect_dma source(%dma_start3A_171 : memref<10000x128xf32, #tpu.memory_space<hbm>>) target(%arg11 : memref<128x128xf32, #tpu.memory_space<vmem>>) offsets(%dma_start3A_168 : memref<128xi32, #tpu.memory_space<vmem>>) semaphore(%arg15 : memref<!tpu.dma_semaphore, #tpu.memory_space<semaphore_mem>>)
        } else {
        }
        %scan3A_157 = arith.constant 0 : i32
        scf.yield %scan3A_157 : i32
      }
      %scan3A_101 = arith.constant 4 : i32
      %dma_wait3A = arith.constant 0 : i32
      %dma_wait3A_102 = arith.constant 0 : i32
      %dma_wait3A_103 = tpu.memref_slice %arg9[%dma_wait3A, %dma_wait3A_102] : memref<8x128xi32, #tpu.memory_space<vmem>> -> memref<1x128xi32, #tpu.memory_space<vmem>>
      %dma_wait3A_104 = tpu.memref_squeeze %dma_wait3A_103 : memref<1x128xi32, #tpu.memory_space<vmem>> -> memref<128xi32, #tpu.memory_space<vmem>>
      %dma_wait3A_105 = arith.constant 0 : i32
      %dma_wait3A_106 = arith.constant 0 : i32
      %dma_wait3A_107 = tpu.memref_slice %arg6[%dma_wait3A_105, %dma_wait3A_106] : memref<10240x128xf32, #tpu.memory_space<vmem_shared>> -> memref<10240x128xf32, #tpu.memory_space<vmem_shared>>
      tpu.wait_indirect_dma semaphore(%arg16 : memref<!tpu.dma_semaphore, #tpu.memory_space<semaphore_mem>>) src(%arg10 : memref<128x128xf32, #tpu.memory_space<vmem>>) dst(%dma_wait3A_107 : memref<10240x128xf32, #tpu.memory_space<vmem_shared>>)
      %dma_wait3A_108 = arith.constant 1 : i32
      %dma_wait3A_109 = arith.constant 0 : i32
      %dma_wait3A_110 = tpu.memref_slice %arg9[%dma_wait3A_108, %dma_wait3A_109] : memref<8x128xi32, #tpu.memory_space<vmem>> -> memref<1x128xi32, #tpu.memory_space<vmem>>
      %dma_wait3A_111 = tpu.memref_squeeze %dma_wait3A_110 : memref<1x128xi32, #tpu.memory_space<vmem>> -> memref<128xi32, #tpu.memory_space<vmem>>
      %dma_wait3A_112 = arith.constant 0 : i32
      %dma_wait3A_113 = arith.constant 0 : i32
      %dma_wait3A_114 = tpu.memref_slice %arg6[%dma_wait3A_112, %dma_wait3A_113] : memref<10240x128xf32, #tpu.memory_space<vmem_shared>> -> memref<10240x128xf32, #tpu.memory_space<vmem_shared>>
      tpu.wait_indirect_dma semaphore(%arg17 : memref<!tpu.dma_semaphore, #tpu.memory_space<semaphore_mem>>) src(%arg11 : memref<128x128xf32, #tpu.memory_space<vmem>>) dst(%dma_wait3A_114 : memref<10240x128xf32, #tpu.memory_space<vmem_shared>>)
      %while3A_115 = arith.constant 0 : i32
      scf.yield %while3A_115 : i32
    }
    %while3A_71 = arith.constant 1 : i32
    %while3A_72 = scf.for %while3A_74 = %while3A_68 to %while3A_64 step %while3A_71 iter_args(%while3A_75 = %while3A_70) -> (i32)  : i32 {
      %mul3A_76 = arith.constant 8 : i32
      %mul3A_77 = arith.muli %while3A_74, %mul3A_76 : i32
      %add3A_78 = arith.addi %select_n3A_8, %mul3A_77 : i32
      "tpu.region"() ({
        %run_scoped3A = tpu.sem_alloc : memref<!tpu.dma_semaphore, #tpu.memory_space<semaphore_mem>>
        %dma_start3A_116 = arith.constant 0 : i32
        %dma_start3A_117 = tpu.memref_slice %arg3[%add3A_78, %dma_start3A_116] : memref<2560x128xi32, #tpu.memory_space<hbm>> -> memref<8x128xi32, #tpu.memory_space<hbm>>
        %dma_start3A_118 = arith.constant 0 : i32
        %dma_start3A_119 = tpu.memref_slice %arg3[%add3A_78, %dma_start3A_118] : memref<2560x128xi32, #tpu.memory_space<hbm>> -> memref<8x128xi32, #tpu.memory_space<hbm>>
        tpu.enqueue_dma source(%dma_start3A_119 : memref<8x128xi32, #tpu.memory_space<hbm>>) target(%arg8 : memref<8x128xi32, #tpu.memory_space<vmem>>) target_semaphore(%run_scoped3A : memref<!tpu.dma_semaphore, #tpu.memory_space<semaphore_mem>>)
        %dma_wait3A_120 = arith.constant 0 : i32
        %dma_wait3A_121 = tpu.memref_slice %arg3[%add3A_78, %dma_wait3A_120] : memref<2560x128xi32, #tpu.memory_space<hbm>> -> memref<8x128xi32, #tpu.memory_space<hbm>>
        %dma_wait3A_122 = arith.constant 0 : i32
        %dma_wait3A_123 = tpu.memref_slice %arg3[%add3A_78, %dma_wait3A_122] : memref<2560x128xi32, #tpu.memory_space<hbm>> -> memref<8x128xi32, #tpu.memory_space<hbm>>
        tpu.wait_dma2 semaphore(%run_scoped3A : memref<!tpu.dma_semaphore, #tpu.memory_space<semaphore_mem>>) src(%dma_wait3A_123 : memref<8x128xi32, #tpu.memory_space<hbm>>) dst(%arg8 : memref<8x128xi32, #tpu.memory_space<vmem>>)
        tpu.yield
      }) : () -> ()
      %mul3A_79 = arith.constant 8 : i32
      %mul3A_80 = arith.muli %while3A_74, %mul3A_79 : i32
      %add3A_81 = arith.addi %select_n3A_8, %mul3A_80 : i32
      "tpu.region"() ({
        %run_scoped3A = tpu.sem_alloc : memref<!tpu.dma_semaphore, #tpu.memory_space<semaphore_mem>>
        %dma_start3A_116 = arith.constant 0 : i32
        %dma_start3A_117 = tpu.memref_slice %arg4[%add3A_81, %dma_start3A_116] : memref<2560x128xi32, #tpu.memory_space<hbm>> -> memref<8x128xi32, #tpu.memory_space<hbm>>
        %dma_start3A_118 = arith.constant 0 : i32
        %dma_start3A_119 = tpu.memref_slice %arg4[%add3A_81, %dma_start3A_118] : memref<2560x128xi32, #tpu.memory_space<hbm>> -> memref<8x128xi32, #tpu.memory_space<hbm>>
        tpu.enqueue_dma source(%dma_start3A_119 : memref<8x128xi32, #tpu.memory_space<hbm>>) target(%arg9 : memref<8x128xi32, #tpu.memory_space<vmem>>) target_semaphore(%run_scoped3A : memref<!tpu.dma_semaphore, #tpu.memory_space<semaphore_mem>>)
        %dma_wait3A_120 = arith.constant 0 : i32
        %dma_wait3A_121 = tpu.memref_slice %arg4[%add3A_81, %dma_wait3A_120] : memref<2560x128xi32, #tpu.memory_space<hbm>> -> memref<8x128xi32, #tpu.memory_space<hbm>>
        %dma_wait3A_122 = arith.constant 0 : i32
        %dma_wait3A_123 = tpu.memref_slice %arg4[%add3A_81, %dma_wait3A_122] : memref<2560x128xi32, #tpu.memory_space<hbm>> -> memref<8x128xi32, #tpu.memory_space<hbm>>
        tpu.wait_dma2 semaphore(%run_scoped3A : memref<!tpu.dma_semaphore, #tpu.memory_space<semaphore_mem>>) src(%dma_wait3A_123 : memref<8x128xi32, #tpu.memory_space<hbm>>) dst(%arg9 : memref<8x128xi32, #tpu.memory_space<vmem>>)
        tpu.yield
      }) : () -> ()
      %dma_start3A = arith.constant 0 : i32
      %dma_start3A_82 = arith.constant 0 : i32
      %dma_start3A_83 = tpu.memref_slice %arg8[%dma_start3A, %dma_start3A_82] : memref<8x128xi32, #tpu.memory_space<vmem>> -> memref<1x128xi32, #tpu.memory_space<vmem>>
      %dma_start3A_84 = tpu.memref_squeeze %dma_start3A_83 : memref<1x128xi32, #tpu.memory_space<vmem>> -> memref<128xi32, #tpu.memory_space<vmem>>
      %dma_start3A_85 = arith.constant 0 : i32
      %dma_start3A_86 = arith.constant 0 : i32
      %dma_start3A_87 = tpu.memref_slice %arg2[%dma_start3A_85, %dma_start3A_86] : memref<10000x128xf32, #tpu.memory_space<hbm>> -> memref<10000x128xf32, #tpu.memory_space<hbm>>
      tpu.enqueue_indirect_dma source(%dma_start3A_87 : memref<10000x128xf32, #tpu.memory_space<hbm>>) target(%arg10 : memref<128x128xf32, #tpu.memory_space<vmem>>) offsets(%dma_start3A_84 : memref<128xi32, #tpu.memory_space<vmem>>) semaphore(%arg14 : memref<!tpu.dma_semaphore, #tpu.memory_space<semaphore_mem>>)
      %dma_start3A_88 = arith.constant 1 : i32
      %dma_start3A_89 = arith.constant 0 : i32
      %dma_start3A_90 = tpu.memref_slice %arg8[%dma_start3A_88, %dma_start3A_89] : memref<8x128xi32, #tpu.memory_space<vmem>> -> memref<1x128xi32, #tpu.memory_space<vmem>>
      %dma_start3A_91 = tpu.memref_squeeze %dma_start3A_90 : memref<1x128xi32, #tpu.memory_space<vmem>> -> memref<128xi32, #tpu.memory_space<vmem>>
      %dma_start3A_92 = arith.constant 0 : i32
      %dma_start3A_93 = arith.constant 0 : i32
      %dma_start3A_94 = tpu.memref_slice %arg2[%dma_start3A_92, %dma_start3A_93] : memref<10000x128xf32, #tpu.memory_space<hbm>> -> memref<10000x128xf32, #tpu.memory_space<hbm>>
      tpu.enqueue_indirect_dma source(%dma_start3A_94 : memref<10000x128xf32, #tpu.memory_space<hbm>>) target(%arg11 : memref<128x128xf32, #tpu.memory_space<vmem>>) offsets(%dma_start3A_91 : memref<128xi32, #tpu.memory_space<vmem>>) semaphore(%arg15 : memref<!tpu.dma_semaphore, #tpu.memory_space<semaphore_mem>>)
      %scan3A_95 = arith.constant 0 : i32
      %scan3A_96 = arith.constant 0 : i32
      %scan3A_97 = arith.constant 4 : i32
      %scan3A_98 = arith.addi %scan3A_96, %scan3A_97 : i32
      %scan3A_99 = arith.constant 1 : i32
      %scan3A_100 = scf.for %scan3A_116 = %scan3A_96 to %scan3A_98 step %scan3A_99 iter_args(%scan3A_117 = %scan3A_95) -> (i32)  : i32 {
        %mul3A_118 = arith.constant 2 : i32
        %mul3A_119 = arith.muli %scan3A_116, %mul3A_118 : i32
        %add3A_120 = arith.constant 1 : i32
        %add3A_121 = arith.addi %mul3A_119, %add3A_120 : i32
        %dma_wait3A_122 = arith.constant 0 : i32
        %dma_wait3A_123 = tpu.memref_slice %arg8[%mul3A_119, %dma_wait3A_122] : memref<8x128xi32, #tpu.memory_space<vmem>> -> memref<1x128xi32, #tpu.memory_space<vmem>>
        %dma_wait3A_124 = tpu.memref_squeeze %dma_wait3A_123 : memref<1x128xi32, #tpu.memory_space<vmem>> -> memref<128xi32, #tpu.memory_space<vmem>>
        %dma_wait3A_125 = arith.constant 0 : i32
        %dma_wait3A_126 = arith.constant 0 : i32
        %dma_wait3A_127 = tpu.memref_slice %arg2[%dma_wait3A_125, %dma_wait3A_126] : memref<10000x128xf32, #tpu.memory_space<hbm>> -> memref<10000x128xf32, #tpu.memory_space<hbm>>
        tpu.wait_indirect_dma semaphore(%arg14 : memref<!tpu.dma_semaphore, #tpu.memory_space<semaphore_mem>>) src(%dma_wait3A_127 : memref<10000x128xf32, #tpu.memory_space<hbm>>) dst(%arg10 : memref<128x128xf32, #tpu.memory_space<vmem>>)
        %dma_start3A_128 = arith.constant 0 : i32
        %dma_start3A_129 = tpu.memref_slice %arg9[%mul3A_119, %dma_start3A_128] : memref<8x128xi32, #tpu.memory_space<vmem>> -> memref<1x128xi32, #tpu.memory_space<vmem>>
        %dma_start3A_130 = tpu.memref_squeeze %dma_start3A_129 : memref<1x128xi32, #tpu.memory_space<vmem>> -> memref<128xi32, #tpu.memory_space<vmem>>
        %dma_start3A_131 = arith.constant 0 : i32
        %dma_start3A_132 = arith.constant 0 : i32
        %dma_start3A_133 = tpu.memref_slice %arg6[%dma_start3A_131, %dma_start3A_132] : memref<10240x128xf32, #tpu.memory_space<vmem_shared>> -> memref<10240x128xf32, #tpu.memory_space<vmem_shared>>
        tpu.enqueue_indirect_dma source(%arg10 : memref<128x128xf32, #tpu.memory_space<vmem>>) target(%dma_start3A_133 : memref<10240x128xf32, #tpu.memory_space<vmem_shared>>) offsets(%dma_start3A_130 : memref<128xi32, #tpu.memory_space<vmem>>) semaphore(%arg16 : memref<!tpu.dma_semaphore, #tpu.memory_space<semaphore_mem>>) {add = true}
        %dma_wait3A_134 = arith.constant 0 : i32
        %dma_wait3A_135 = tpu.memref_slice %arg8[%add3A_121, %dma_wait3A_134] : memref<8x128xi32, #tpu.memory_space<vmem>> -> memref<1x128xi32, #tpu.memory_space<vmem>>
        %dma_wait3A_136 = tpu.memref_squeeze %dma_wait3A_135 : memref<1x128xi32, #tpu.memory_space<vmem>> -> memref<128xi32, #tpu.memory_space<vmem>>
        %dma_wait3A_137 = arith.constant 0 : i32
        %dma_wait3A_138 = arith.constant 0 : i32
        %dma_wait3A_139 = tpu.memref_slice %arg2[%dma_wait3A_137, %dma_wait3A_138] : memref<10000x128xf32, #tpu.memory_space<hbm>> -> memref<10000x128xf32, #tpu.memory_space<hbm>>
        tpu.wait_indirect_dma semaphore(%arg15 : memref<!tpu.dma_semaphore, #tpu.memory_space<semaphore_mem>>) src(%dma_wait3A_139 : memref<10000x128xf32, #tpu.memory_space<hbm>>) dst(%arg11 : memref<128x128xf32, #tpu.memory_space<vmem>>)
        %add3A_140 = arith.constant 2 : i32
        %add3A_141 = arith.addi %mul3A_119, %add3A_140 : i32
        %lt3A = arith.constant 8 : i32
        %lt3A_142 = arith.cmpi slt, %add3A_141, %lt3A : i32
        %convert_element_type3A = arith.extui %lt3A_142 : i1 to i32
        %cond3A = arith.constant 0 : i32
        %cond3A_143 = arith.cmpi ne, %convert_element_type3A, %cond3A : i32
        scf.if %cond3A_143 {
          %dma_wait3A_158 = arith.constant 0 : i32
          %dma_wait3A_159 = tpu.memref_slice %arg9[%mul3A_119, %dma_wait3A_158] : memref<8x128xi32, #tpu.memory_space<vmem>> -> memref<1x128xi32, #tpu.memory_space<vmem>>
          %dma_wait3A_160 = tpu.memref_squeeze %dma_wait3A_159 : memref<1x128xi32, #tpu.memory_space<vmem>> -> memref<128xi32, #tpu.memory_space<vmem>>
          %dma_wait3A_161 = arith.constant 0 : i32
          %dma_wait3A_162 = arith.constant 0 : i32
          %dma_wait3A_163 = tpu.memref_slice %arg6[%dma_wait3A_161, %dma_wait3A_162] : memref<10240x128xf32, #tpu.memory_space<vmem_shared>> -> memref<10240x128xf32, #tpu.memory_space<vmem_shared>>
          tpu.wait_indirect_dma semaphore(%arg16 : memref<!tpu.dma_semaphore, #tpu.memory_space<semaphore_mem>>) src(%arg10 : memref<128x128xf32, #tpu.memory_space<vmem>>) dst(%dma_wait3A_163 : memref<10240x128xf32, #tpu.memory_space<vmem_shared>>)
          %add3A_164 = arith.constant 2 : i32
          %add3A_165 = arith.addi %mul3A_119, %add3A_164 : i32
          %dma_start3A_166 = arith.constant 0 : i32
          %dma_start3A_167 = tpu.memref_slice %arg8[%add3A_165, %dma_start3A_166] : memref<8x128xi32, #tpu.memory_space<vmem>> -> memref<1x128xi32, #tpu.memory_space<vmem>>
          %dma_start3A_168 = tpu.memref_squeeze %dma_start3A_167 : memref<1x128xi32, #tpu.memory_space<vmem>> -> memref<128xi32, #tpu.memory_space<vmem>>
          %dma_start3A_169 = arith.constant 0 : i32
          %dma_start3A_170 = arith.constant 0 : i32
          %dma_start3A_171 = tpu.memref_slice %arg2[%dma_start3A_169, %dma_start3A_170] : memref<10000x128xf32, #tpu.memory_space<hbm>> -> memref<10000x128xf32, #tpu.memory_space<hbm>>
          tpu.enqueue_indirect_dma source(%dma_start3A_171 : memref<10000x128xf32, #tpu.memory_space<hbm>>) target(%arg10 : memref<128x128xf32, #tpu.memory_space<vmem>>) offsets(%dma_start3A_168 : memref<128xi32, #tpu.memory_space<vmem>>) semaphore(%arg14 : memref<!tpu.dma_semaphore, #tpu.memory_space<semaphore_mem>>)
        } else {
        }
        %dma_start3A_144 = arith.constant 0 : i32
        %dma_start3A_145 = tpu.memref_slice %arg9[%add3A_121, %dma_start3A_144] : memref<8x128xi32, #tpu.memory_space<vmem>> -> memref<1x128xi32, #tpu.memory_space<vmem>>
        %dma_start3A_146 = tpu.memref_squeeze %dma_start3A_145 : memref<1x128xi32, #tpu.memory_space<vmem>> -> memref<128xi32, #tpu.memory_space<vmem>>
        %dma_start3A_147 = arith.constant 0 : i32
        %dma_start3A_148 = arith.constant 0 : i32
        %dma_start3A_149 = tpu.memref_slice %arg6[%dma_start3A_147, %dma_start3A_148] : memref<10240x128xf32, #tpu.memory_space<vmem_shared>> -> memref<10240x128xf32, #tpu.memory_space<vmem_shared>>
        tpu.enqueue_indirect_dma source(%arg11 : memref<128x128xf32, #tpu.memory_space<vmem>>) target(%dma_start3A_149 : memref<10240x128xf32, #tpu.memory_space<vmem_shared>>) offsets(%dma_start3A_146 : memref<128xi32, #tpu.memory_space<vmem>>) semaphore(%arg17 : memref<!tpu.dma_semaphore, #tpu.memory_space<semaphore_mem>>) {add = true}
        %add3A_150 = arith.constant 2 : i32
        %add3A_151 = arith.addi %add3A_121, %add3A_150 : i32
        %lt3A_152 = arith.constant 8 : i32
        %lt3A_153 = arith.cmpi slt, %add3A_151, %lt3A_152 : i32
        %convert_element_type3A_154 = arith.extui %lt3A_153 : i1 to i32
        %cond3A_155 = arith.constant 0 : i32
        %cond3A_156 = arith.cmpi ne, %convert_element_type3A_154, %cond3A_155 : i32
        scf.if %cond3A_156 {
          %dma_wait3A_158 = arith.constant 0 : i32
          %dma_wait3A_159 = tpu.memref_slice %arg9[%add3A_121, %dma_wait3A_158] : memref<8x128xi32, #tpu.memory_space<vmem>> -> memref<1x128xi32, #tpu.memory_space<vmem>>
          %dma_wait3A_160 = tpu.memref_squeeze %dma_wait3A_159 : memref<1x128xi32, #tpu.memory_space<vmem>> -> memref<128xi32, #tpu.memory_space<vmem>>
          %dma_wait3A_161 = arith.constant 0 : i32
          %dma_wait3A_162 = arith.constant 0 : i32
          %dma_wait3A_163 = tpu.memref_slice %arg6[%dma_wait3A_161, %dma_wait3A_162] : memref<10240x128xf32, #tpu.memory_space<vmem_shared>> -> memref<10240x128xf32, #tpu.memory_space<vmem_shared>>
          tpu.wait_indirect_dma semaphore(%arg17 : memref<!tpu.dma_semaphore, #tpu.memory_space<semaphore_mem>>) src(%arg11 : memref<128x128xf32, #tpu.memory_space<vmem>>) dst(%dma_wait3A_163 : memref<10240x128xf32, #tpu.memory_space<vmem_shared>>)
          %add3A_164 = arith.constant 2 : i32
          %add3A_165 = arith.addi %add3A_121, %add3A_164 : i32
          %dma_start3A_166 = arith.constant 0 : i32
          %dma_start3A_167 = tpu.memref_slice %arg8[%add3A_165, %dma_start3A_166] : memref<8x128xi32, #tpu.memory_space<vmem>> -> memref<1x128xi32, #tpu.memory_space<vmem>>
          %dma_start3A_168 = tpu.memref_squeeze %dma_start3A_167 : memref<1x128xi32, #tpu.memory_space<vmem>> -> memref<128xi32, #tpu.memory_space<vmem>>
          %dma_start3A_169 = arith.constant 0 : i32
          %dma_start3A_170 = arith.constant 0 : i32
          %dma_start3A_171 = tpu.memref_slice %arg2[%dma_start3A_169, %dma_start3A_170] : memref<10000x128xf32, #tpu.memory_space<hbm>> -> memref<10000x128xf32, #tpu.memory_space<hbm>>
          tpu.enqueue_indirect_dma source(%dma_start3A_171 : memref<10000x128xf32, #tpu.memory_space<hbm>>) target(%arg11 : memref<128x128xf32, #tpu.memory_space<vmem>>) offsets(%dma_start3A_168 : memref<128xi32, #tpu.memory_space<vmem>>) semaphore(%arg15 : memref<!tpu.dma_semaphore, #tpu.memory_space<semaphore_mem>>)
        } else {
        }
        %scan3A_157 = arith.constant 0 : i32
        scf.yield %scan3A_157 : i32
      }
      %scan3A_101 = arith.constant 4 : i32
      %dma_wait3A = arith.constant 0 : i32
      %dma_wait3A_102 = arith.constant 0 : i32
      %dma_wait3A_103 = tpu.memref_slice %arg9[%dma_wait3A, %dma_wait3A_102] : memref<8x128xi32, #tpu.memory_space<vmem>> -> memref<1x128xi32, #tpu.memory_space<vmem>>
      %dma_wait3A_104 = tpu.memref_squeeze %dma_wait3A_103 : memref<1x128xi32, #tpu.memory_space<vmem>> -> memref<128xi32, #tpu.memory_space<vmem>>
      %dma_wait3A_105 = arith.constant 0 : i32
      %dma_wait3A_106 = arith.constant 0 : i32
      %dma_wait3A_107 = tpu.memref_slice %arg6[%dma_wait3A_105, %dma_wait3A_106] : memref<10240x128xf32, #tpu.memory_space<vmem_shared>> -> memref<10240x128xf32, #tpu.memory_space<vmem_shared>>
      tpu.wait_indirect_dma semaphore(%arg16 : memref<!tpu.dma_semaphore, #tpu.memory_space<semaphore_mem>>) src(%arg10 : memref<128x128xf32, #tpu.memory_space<vmem>>) dst(%dma_wait3A_107 : memref<10240x128xf32, #tpu.memory_space<vmem_shared>>)
      %dma_wait3A_108 = arith.constant 1 : i32
      %dma_wait3A_109 = arith.constant 0 : i32
      %dma_wait3A_110 = tpu.memref_slice %arg9[%dma_wait3A_108, %dma_wait3A_109] : memref<8x128xi32, #tpu.memory_space<vmem>> -> memref<1x128xi32, #tpu.memory_space<vmem>>
      %dma_wait3A_111 = tpu.memref_squeeze %dma_wait3A_110 : memref<1x128xi32, #tpu.memory_space<vmem>> -> memref<128xi32, #tpu.memory_space<vmem>>
      %dma_wait3A_112 = arith.constant 0 : i32
      %dma_wait3A_113 = arith.constant 0 : i32
      %dma_wait3A_114 = tpu.memref_slice %arg6[%dma_wait3A_112, %dma_wait3A_113] : memref<10240x128xf32, #tpu.memory_space<vmem_shared>> -> memref<10240x128xf32, #tpu.memory_space<vmem_shared>>
      tpu.wait_indirect_dma semaphore(%arg17 : memref<!tpu.dma_semaphore, #tpu.memory_space<semaphore_mem>>) src(%arg11 : memref<128x128xf32, #tpu.memory_space<vmem>>) dst(%dma_wait3A_114 : memref<10240x128xf32, #tpu.memory_space<vmem_shared>>)
      %while3A_115 = arith.constant 0 : i32
      scf.yield %while3A_115 : i32
    }
    %barrier3A_73 = arith.constant 0 : index
    tpu.barrier barrier_id(%barrier3A_73)
    "tpu.region"() ({
      %run_scoped3A = tpu.sem_alloc : memref<!tpu.dma_semaphore, #tpu.memory_space<semaphore_mem>>
      %dma_start3A = arith.constant 0 : i32
      %dma_start3A_74 = tpu.memref_slice %arg5[%arg0, %mul3A_33, %dma_start3A] : memref<2x10240x128xf32, #tpu.memory_space<hbm>> -> memref<1x640x128xf32, #tpu.memory_space<hbm>>
      %dma_start3A_75 = tpu.memref_squeeze %dma_start3A_74 : memref<1x640x128xf32, #tpu.memory_space<hbm>> -> memref<640x128xf32, #tpu.memory_space<hbm>>
      %dma_start3A_76 = arith.constant 0 : i32
      %dma_start3A_77 = tpu.memref_slice %arg6[%mul3A_33, %dma_start3A_76] : memref<10240x128xf32, #tpu.memory_space<vmem_shared>> -> memref<640x128xf32, #tpu.memory_space<vmem_shared>>
      tpu.enqueue_dma source(%dma_start3A_77 : memref<640x128xf32, #tpu.memory_space<vmem_shared>>) target(%dma_start3A_75 : memref<640x128xf32, #tpu.memory_space<hbm>>) target_semaphore(%run_scoped3A : memref<!tpu.dma_semaphore, #tpu.memory_space<semaphore_mem>>)
      %dma_wait3A = arith.constant 0 : i32
      %dma_wait3A_78 = tpu.memref_slice %arg5[%arg0, %mul3A_33, %dma_wait3A] : memref<2x10240x128xf32, #tpu.memory_space<hbm>> -> memref<1x640x128xf32, #tpu.memory_space<hbm>>
      %dma_wait3A_79 = tpu.memref_squeeze %dma_wait3A_78 : memref<1x640x128xf32, #tpu.memory_space<hbm>> -> memref<640x128xf32, #tpu.memory_space<hbm>>
      %dma_wait3A_80 = arith.constant 0 : i32
      %dma_wait3A_81 = tpu.memref_slice %arg6[%mul3A_33, %dma_wait3A_80] : memref<10240x128xf32, #tpu.memory_space<vmem_shared>> -> memref<640x128xf32, #tpu.memory_space<vmem_shared>>
      tpu.wait_dma2 semaphore(%run_scoped3A : memref<!tpu.dma_semaphore, #tpu.memory_space<semaphore_mem>>) src(%dma_wait3A_81 : memref<640x128xf32, #tpu.memory_space<vmem_shared>>) dst(%dma_wait3A_79 : memref<640x128xf32, #tpu.memory_space<hbm>>)
      tpu.yield
    }) : () -> ()
    return
  }
}

module attributes {stable_mosaic.version = 14 : i64} {
  func.func @sage_dense_relu(%arg0: i32, %arg1: memref<2x1000x128xf32, #tpu.memory_space<vmem>>, %arg2: memref<1000x2xf32, #tpu.memory_space<vmem>>, %arg3: memref<1000x128xf32, #tpu.memory_space<vmem>>, %arg4: memref<128x128xf32, #tpu.memory_space<vmem>>, %arg5: memref<128x128xf32, #tpu.memory_space<vmem>>, %arg6: memref<1x128xf32, #tpu.memory_space<vmem>>, %arg7: memref<1000x128xf32, #tpu.memory_space<vmem>>) attributes {dimension_semantics = [#tpu.dimension_semantics<arbitrary>], iteration_bounds = array<i64: 10>, scalar_prefetch = 0 : i64, scratch_operands = 0 : i64, tpu.core_type = #tpu.core_type<tc>, window_params = [{transform_indices = @transform_0, window_bounds = array<i64: 2, 1000, 128>}, {transform_indices = @transform_1, window_bounds = array<i64: 1000, 2>}, {transform_indices = @transform_2, window_bounds = array<i64: 1000, 128>}, {pipeline_mode = #tpu.pipeline_mode<synchronous>, transform_indices = @transform_3, window_bounds = array<i64: 128, 128>}, {pipeline_mode = #tpu.pipeline_mode<synchronous>, transform_indices = @transform_4, window_bounds = array<i64: 128, 128>}, {pipeline_mode = #tpu.pipeline_mode<synchronous>, transform_indices = @transform_5, window_bounds = array<i64: 1, 128>}, {transform_indices = @transform_6, window_bounds = array<i64: 1000, 128>}]} {
    %get3A = arith.constant 0 : index
    %get3A_0 = arith.constant 0 : index
    %get3A_1 = arith.constant 0 : index
    %get3A_2 = vector.load %arg1[%get3A, %get3A_0, %get3A_1] : memref<2x1000x128xf32, #tpu.memory_space<vmem>>, vector<1x1000x128xf32>
    %get3A_3 = vector.shape_cast %get3A_2 : vector<1x1000x128xf32> to vector<1000x128xf32>
    %get3A_4 = arith.constant 1 : index
    %get3A_5 = arith.constant 0 : index
    %get3A_6 = arith.constant 0 : index
    %get3A_7 = vector.load %arg1[%get3A_4, %get3A_5, %get3A_6] : memref<2x1000x128xf32, #tpu.memory_space<vmem>>, vector<1x1000x128xf32>
    %get3A_8 = vector.shape_cast %get3A_7 : vector<1x1000x128xf32> to vector<1000x128xf32>
    %add3A = arith.addf %get3A_3, %get3A_8 : vector<1000x128xf32>
    %get3A_9 = arith.constant 0 : index
    %get3A_10 = arith.constant 0 : index
    %get3A_11 = vector.load %arg2[%get3A_9, %get3A_10] : memref<1000x2xf32, #tpu.memory_space<vmem>>, vector<1000x1xf32>
    %get3A_12 = arith.constant 0 : index
    %get3A_13 = arith.constant 1 : index
    %get3A_14 = vector.load %arg2[%get3A_12, %get3A_13] : memref<1000x2xf32, #tpu.memory_space<vmem>>, vector<1000x1xf32>
    %add3A_15 = arith.addf %get3A_11, %get3A_14 : vector<1000x1xf32>
    %max3A = arith.constant 1.000000e+00 : f32
    %max3A_16 = vector.broadcast %max3A : f32 to vector<1000x1xf32>
    %max3A_17 = arith.maximumf %add3A_15, %max3A_16 : vector<1000x1xf32>
    %div3A = arith.constant 1.000000e+00 : f32
    %div3A_18 = vector.broadcast %div3A : f32 to vector<1000x1xf32>
    %div3A_19 = arith.divf %div3A_18, %max3A_17 : vector<1000x1xf32>
    %mul3A = vector.broadcast %div3A_19 : vector<1000x1xf32> to vector<1000x128xf32>
    %mul3A_20 = arith.mulf %add3A, %mul3A : vector<1000x128xf32>
    %get3A_21 = arith.constant 0 : index
    %get3A_22 = arith.constant 0 : index
    %get3A_23 = vector.load %arg4[%get3A_21, %get3A_22] : memref<128x128xf32, #tpu.memory_space<vmem>>, vector<128x128xf32>
    %dot_general3A = arith.constant dense<0.000000e+00> : vector<1000x128xf32>
    %dot_general3A_24 = tpu.matmul %mul3A_20, %get3A_23, %dot_general3A {dimension_numbers = #tpu.dot_dimension_numbers<[1], [0], [0], [1], [0, 0, 1, 1], [], []>, transpose_lhs_hint = false} : vector<1000x128xf32>, vector<128x128xf32>, vector<1000x128xf32> -> vector<1000x128xf32>
    %get3A_25 = arith.constant 0 : index
    %get3A_26 = arith.constant 0 : index
    %get3A_27 = vector.load %arg3[%get3A_25, %get3A_26] : memref<1000x128xf32, #tpu.memory_space<vmem>>, vector<1000x128xf32>
    %get3A_28 = arith.constant 0 : index
    %get3A_29 = arith.constant 0 : index
    %get3A_30 = vector.load %arg5[%get3A_28, %get3A_29] : memref<128x128xf32, #tpu.memory_space<vmem>>, vector<128x128xf32>
    %dot_general3A_31 = arith.constant dense<0.000000e+00> : vector<1000x128xf32>
    %dot_general3A_32 = tpu.matmul %get3A_27, %get3A_30, %dot_general3A_31 {dimension_numbers = #tpu.dot_dimension_numbers<[1], [0], [0], [1], [0, 0, 1, 1], [], []>, transpose_lhs_hint = false} : vector<1000x128xf32>, vector<128x128xf32>, vector<1000x128xf32> -> vector<1000x128xf32>
    %add3A_33 = arith.addf %dot_general3A_24, %dot_general3A_32 : vector<1000x128xf32>
    %get3A_34 = arith.constant 0 : index
    %get3A_35 = arith.constant 0 : index
    %get3A_36 = vector.load %arg6[%get3A_34, %get3A_35] : memref<1x128xf32, #tpu.memory_space<vmem>>, vector<1x128xf32>
    %add3A_37 = vector.broadcast %get3A_36 : vector<1x128xf32> to vector<1000x128xf32>
    %add3A_38 = arith.addf %add3A_33, %add3A_37 : vector<1000x128xf32>
    %max3A_39 = arith.constant 0.000000e+00 : f32
    %max3A_40 = vector.broadcast %max3A_39 : f32 to vector<1000x128xf32>
    %max3A_41 = arith.maximumf %add3A_38, %max3A_40 : vector<1000x128xf32>
    %swap3A = arith.constant 0 : index
    %swap3A_42 = arith.constant 0 : index
    %swap3A_43 = vector.load %arg7[%swap3A, %swap3A_42] : memref<1000x128xf32, #tpu.memory_space<vmem>>, vector<1000x128xf32>
    tpu.vector_store %arg7[%swap3A, %swap3A_42], %max3A_41 {strides = array<i32>} : memref<1000x128xf32, #tpu.memory_space<vmem>>, vector<1000x128xf32>,
    return
  }
  func.func @transform_0(%arg0: i32) -> (i32, i32, i32) {
    %c0_i32 = arith.constant 0 : i32
    %c0_i32_0 = arith.constant 0 : i32
    %c0_i32_1 = arith.constant 0 : i32
    return %c0_i32, %arg0, %c0_i32_0 : i32, i32, i32
  }
  func.func @transform_1(%arg0: i32) -> (i32, i32) {
    %c0_i32 = arith.constant 0 : i32
    %c0_i32_0 = arith.constant 0 : i32
    return %arg0, %c0_i32 : i32, i32
  }
  func.func @transform_2(%arg0: i32) -> (i32, i32) {
    %c0_i32 = arith.constant 0 : i32
    %c0_i32_0 = arith.constant 0 : i32
    return %arg0, %c0_i32 : i32, i32
  }
  func.func @transform_3(%arg0: i32) -> (i32, i32) {
    %c0_i32 = arith.constant 0 : i32
    %c0_i32_0 = arith.constant 0 : i32
    %c0_i32_1 = arith.constant 0 : i32
    return %c0_i32, %c0_i32_0 : i32, i32
  }
  func.func @transform_4(%arg0: i32) -> (i32, i32) {
    %c0_i32 = arith.constant 0 : i32
    %c0_i32_0 = arith.constant 0 : i32
    %c0_i32_1 = arith.constant 0 : i32
    return %c0_i32, %c0_i32_0 : i32, i32
  }
  func.func @transform_5(%arg0: i32) -> (i32, i32) {
    %c0_i32 = arith.constant 0 : i32
    %c0_i32_0 = arith.constant 0 : i32
    %c0_i32_1 = arith.constant 0 : i32
    return %c0_i32, %c0_i32_0 : i32, i32
  }
  func.func @transform_6(%arg0: i32) -> (i32, i32) {
    %c0_i32 = arith.constant 0 : i32
    %c0_i32_0 = arith.constant 0 : i32
    return %arg0, %c0_i32 : i32, i32
  }
}

module attributes {stable_mosaic.version = 14 : i64} {
  func.func @sage_dense_softmax(%arg0: i32, %arg1: memref<2x1000x128xf32, #tpu.memory_space<vmem>>, %arg2: memref<1000x2xf32, #tpu.memory_space<vmem>>, %arg3: memref<1000x128xf32, #tpu.memory_space<vmem>>, %arg4: memref<128x128xf32, #tpu.memory_space<vmem>>, %arg5: memref<128x128xf32, #tpu.memory_space<vmem>>, %arg6: memref<1x128xf32, #tpu.memory_space<vmem>>, %arg7: memref<1000x128xf32, #tpu.memory_space<vmem>>) attributes {dimension_semantics = [#tpu.dimension_semantics<arbitrary>], iteration_bounds = array<i64: 10>, scalar_prefetch = 0 : i64, scratch_operands = 0 : i64, tpu.core_type = #tpu.core_type<tc>, window_params = [{transform_indices = @transform_0, window_bounds = array<i64: 2, 1000, 128>}, {transform_indices = @transform_1, window_bounds = array<i64: 1000, 2>}, {transform_indices = @transform_2, window_bounds = array<i64: 1000, 128>}, {pipeline_mode = #tpu.pipeline_mode<synchronous>, transform_indices = @transform_3, window_bounds = array<i64: 128, 128>}, {pipeline_mode = #tpu.pipeline_mode<synchronous>, transform_indices = @transform_4, window_bounds = array<i64: 128, 128>}, {pipeline_mode = #tpu.pipeline_mode<synchronous>, transform_indices = @transform_5, window_bounds = array<i64: 1, 128>}, {transform_indices = @transform_6, window_bounds = array<i64: 1000, 128>}]} {
    %get3A = arith.constant 0 : index
    %get3A_0 = arith.constant 0 : index
    %get3A_1 = arith.constant 0 : index
    %get3A_2 = vector.load %arg1[%get3A, %get3A_0, %get3A_1] : memref<2x1000x128xf32, #tpu.memory_space<vmem>>, vector<1x1000x128xf32>
    %get3A_3 = vector.shape_cast %get3A_2 : vector<1x1000x128xf32> to vector<1000x128xf32>
    %get3A_4 = arith.constant 1 : index
    %get3A_5 = arith.constant 0 : index
    %get3A_6 = arith.constant 0 : index
    %get3A_7 = vector.load %arg1[%get3A_4, %get3A_5, %get3A_6] : memref<2x1000x128xf32, #tpu.memory_space<vmem>>, vector<1x1000x128xf32>
    %get3A_8 = vector.shape_cast %get3A_7 : vector<1x1000x128xf32> to vector<1000x128xf32>
    %add3A = arith.addf %get3A_3, %get3A_8 : vector<1000x128xf32>
    %get3A_9 = arith.constant 0 : index
    %get3A_10 = arith.constant 0 : index
    %get3A_11 = vector.load %arg2[%get3A_9, %get3A_10] : memref<1000x2xf32, #tpu.memory_space<vmem>>, vector<1000x1xf32>
    %get3A_12 = arith.constant 0 : index
    %get3A_13 = arith.constant 1 : index
    %get3A_14 = vector.load %arg2[%get3A_12, %get3A_13] : memref<1000x2xf32, #tpu.memory_space<vmem>>, vector<1000x1xf32>
    %add3A_15 = arith.addf %get3A_11, %get3A_14 : vector<1000x1xf32>
    %max3A = arith.constant 1.000000e+00 : f32
    %max3A_16 = vector.broadcast %max3A : f32 to vector<1000x1xf32>
    %max3A_17 = arith.maximumf %add3A_15, %max3A_16 : vector<1000x1xf32>
    %div3A = arith.constant 1.000000e+00 : f32
    %div3A_18 = vector.broadcast %div3A : f32 to vector<1000x1xf32>
    %div3A_19 = arith.divf %div3A_18, %max3A_17 : vector<1000x1xf32>
    %mul3A = vector.broadcast %div3A_19 : vector<1000x1xf32> to vector<1000x128xf32>
    %mul3A_20 = arith.mulf %add3A, %mul3A : vector<1000x128xf32>
    %get3A_21 = arith.constant 0 : index
    %get3A_22 = arith.constant 0 : index
    %get3A_23 = vector.load %arg4[%get3A_21, %get3A_22] : memref<128x128xf32, #tpu.memory_space<vmem>>, vector<128x128xf32>
    %dot_general3A = arith.constant dense<0.000000e+00> : vector<1000x128xf32>
    %dot_general3A_24 = tpu.matmul %mul3A_20, %get3A_23, %dot_general3A {dimension_numbers = #tpu.dot_dimension_numbers<[1], [0], [0], [1], [0, 0, 1, 1], [], []>, transpose_lhs_hint = false} : vector<1000x128xf32>, vector<128x128xf32>, vector<1000x128xf32> -> vector<1000x128xf32>
    %get3A_25 = arith.constant 0 : index
    %get3A_26 = arith.constant 0 : index
    %get3A_27 = vector.load %arg3[%get3A_25, %get3A_26] : memref<1000x128xf32, #tpu.memory_space<vmem>>, vector<1000x128xf32>
    %get3A_28 = arith.constant 0 : index
    %get3A_29 = arith.constant 0 : index
    %get3A_30 = vector.load %arg5[%get3A_28, %get3A_29] : memref<128x128xf32, #tpu.memory_space<vmem>>, vector<128x128xf32>
    %dot_general3A_31 = arith.constant dense<0.000000e+00> : vector<1000x128xf32>
    %dot_general3A_32 = tpu.matmul %get3A_27, %get3A_30, %dot_general3A_31 {dimension_numbers = #tpu.dot_dimension_numbers<[1], [0], [0], [1], [0, 0, 1, 1], [], []>, transpose_lhs_hint = false} : vector<1000x128xf32>, vector<128x128xf32>, vector<1000x128xf32> -> vector<1000x128xf32>
    %add3A_33 = arith.addf %dot_general3A_24, %dot_general3A_32 : vector<1000x128xf32>
    %get3A_34 = arith.constant 0 : index
    %get3A_35 = arith.constant 0 : index
    %get3A_36 = vector.load %arg6[%get3A_34, %get3A_35] : memref<1x128xf32, #tpu.memory_space<vmem>>, vector<1x128xf32>
    %add3A_37 = vector.broadcast %get3A_36 : vector<1x128xf32> to vector<1000x128xf32>
    %add3A_38 = arith.addf %add3A_33, %add3A_37 : vector<1000x128xf32>
    %reduce_max3A = arith.constant dense<0xFF800000> : vector<1000xf32>
    %reduce_max3A_39 = vector.multi_reduction <maximumf>, %add3A_38, %reduce_max3A [1] : vector<1000x128xf32> to vector<1000xf32>
    %broadcast_in_dim3A = vector.shape_cast %reduce_max3A_39 : vector<1000xf32> to vector<1000x1xf32>
    %sub3A = vector.broadcast %broadcast_in_dim3A : vector<1000x1xf32> to vector<1000x128xf32>
    %sub3A_40 = arith.subf %add3A_38, %sub3A : vector<1000x128xf32>
    %exp3A = math.exp %sub3A_40 : vector<1000x128xf32>
    %reduce_sum3A = arith.constant dense<0.000000e+00> : vector<1000xf32>
    %reduce_sum3A_41 = vector.multi_reduction <add>, %exp3A, %reduce_sum3A [1] : vector<1000x128xf32> to vector<1000xf32>
    %broadcast_in_dim3A_42 = vector.shape_cast %reduce_sum3A_41 : vector<1000xf32> to vector<1000x1xf32>
    %div3A_43 = vector.broadcast %broadcast_in_dim3A_42 : vector<1000x1xf32> to vector<1000x128xf32>
    %div3A_44 = arith.divf %exp3A, %div3A_43 : vector<1000x128xf32>
    %swap3A = arith.constant 0 : index
    %swap3A_45 = arith.constant 0 : index
    %swap3A_46 = vector.load %arg7[%swap3A, %swap3A_45] : memref<1000x128xf32, #tpu.memory_space<vmem>>, vector<1000x128xf32>
    tpu.vector_store %arg7[%swap3A, %swap3A_45], %div3A_44 {strides = array<i32>} : memref<1000x128xf32, #tpu.memory_space<vmem>>, vector<1000x128xf32>,
    return
  }
  func.func @transform_0(%arg0: i32) -> (i32, i32, i32) {
    %c0_i32 = arith.constant 0 : i32
    %c0_i32_0 = arith.constant 0 : i32
    %c0_i32_1 = arith.constant 0 : i32
    return %c0_i32, %arg0, %c0_i32_0 : i32, i32, i32
  }
  func.func @transform_1(%arg0: i32) -> (i32, i32) {
    %c0_i32 = arith.constant 0 : i32
    %c0_i32_0 = arith.constant 0 : i32
    return %arg0, %c0_i32 : i32, i32
  }
  func.func @transform_2(%arg0: i32) -> (i32, i32) {
    %c0_i32 = arith.constant 0 : i32
    %c0_i32_0 = arith.constant 0 : i32
    return %arg0, %c0_i32 : i32, i32
  }
  func.func @transform_3(%arg0: i32) -> (i32, i32) {
    %c0_i32 = arith.constant 0 : i32
    %c0_i32_0 = arith.constant 0 : i32
    %c0_i32_1 = arith.constant 0 : i32
    return %c0_i32, %c0_i32_0 : i32, i32
  }
  func.func @transform_4(%arg0: i32) -> (i32, i32) {
    %c0_i32 = arith.constant 0 : i32
    %c0_i32_0 = arith.constant 0 : i32
    %c0_i32_1 = arith.constant 0 : i32
    return %c0_i32, %c0_i32_0 : i32, i32
  }
  func.func @transform_5(%arg0: i32) -> (i32, i32) {
    %c0_i32 = arith.constant 0 : i32
    %c0_i32_0 = arith.constant 0 : i32
    %c0_i32_1 = arith.constant 0 : i32
    return %c0_i32, %c0_i32_0 : i32, i32
  }
  func.func @transform_6(%arg0: i32) -> (i32, i32) {
    %c0_i32 = arith.constant 0 : i32
    %c0_i32_0 = arith.constant 0 : i32
    return %arg0, %c0_i32 : i32, i32
  }
}

</mosaic_0001>

<sc_bundles>
// kernel: sc_segment_mean.3.cloned.1.call-start
scs
__scs_entry_jumppad:
0x0: {  	(pc) =	sbr.rel $0x88, $3  }
0x1: {  	(tag) =	ssettag $0x0;
	lr =	simm.s32 $0x1  }
0x2: {  	[smem:$0x3F99] =	sst lr;
	_ =	strace $0xD0000000  }
0x3: {  	_ = 	snop  }
0x4: {  	_ = 	snop  }
0x5: {  	_ = 	snop  }
0x6: {  	_ = 	snop  }
0x7: {  	_ = 	snop  }
__scs_overlays_trampoline_lowered:
0x8: {  	[smem:$0x3FA8] =	sst s0  }
0x9: {  	[smem:$0x3FA9] =	sst s1  }
0xa: {  	[smem:$0x3FAA] =	sst s2  }
0xb: {  	[smem:$0x3FAB] =	sst s3  }
0xc: {  	[smem:$0x3FAC] =	sst s4  }
0xd: {  	[smem:$0x3FAD] =	sst s5  }
0xe: {  	[smem:$0x3FAE] =	sst s6  }
0xf: {  	[smem:$0x3FAF] =	sst s7  }
0x10: {  	[smem:$0x3FB0] =	sst s8  }
0x11: {  	[smem:$0x3FB1] =	sst s9;
	s0 =	simm.s32 @!p0 $0x0  }
0x12: {  	s1 =	sld [smem:$0x3F97];
	s0 =	simm.s32 @p0 $0x1  }
0x13: {  	[smem:$0x3FB2] =	sst s0;
	s0 =	simm.s32 @!p1 $0x0  }
0x14: {  	s2 =	sld [smem:$0x3F96];
	s0 =	simm.s32 @p1 $0x1  }
0x15: {  	[smem:$0x3FB3] =	sst s0;
	s0 =	simm.s32 @!p2 $0x0  }
0x16: {  	s3 =	sld [smem:$0x3FDB];
	s0 =	simm.s32 @p2 $0x1  }
0x17: {  	s4 =	simm.s32 $0x1BF5;
	[smem:$0x3FB5] =	sst s0  }
0x18: {  	s0 =	sld [smem:$0x3F98];
	_ =	swait.ge [sflag:s4], $0x0  }
0x19: {  	s7 =	sld [smem:$0x3F99]  }
0x1a: {  	s8 =	sadd.s32 $0xFFFFE003, lr  }
0x1b: {  	s9 =	sadd.s32 $0xFFFFFEF7, lr;
	s5 =	simm.s32 $0xFFFFFFFF;
	p2 =	slt.u32 s8, $0xFFFFF086  }
0x1c: {  	p1 =	slt.u32 s9, $0xF7A;
	s5 =	simm.s32 @!p2 $0x0  }
0x1d: {  	s5 =	simm.s32 @p1 $0x1;
	p0 =	seq.s32 s7, s2  }
0x1e: {  	s7 =	smul.u32 @!p0 $0xF7A, s2;
	p2 =	seq.s32 @!p0 s5, $0x0  }
0x1f: {  	s9 =	smul.u32 $0xF7A, s1;
	s8 =	simm.s32 @!p0 $0x1BF5;
	p2 =	por !p2, p0  }
0x20: {  	[sflag:s8] =	ssyncset.s32 @!p0 $0xFFFFF086;
	s6 =	sadd.s32 @!p0 s3, s7;
	s7 =	simm.s32 @!p0 $0x108  }
0x21: {  	s3 =	sadd.s32 s3, s9;
	s6 =	sadd.s32 @!p0 $0x88, s6;
	s7 =	simm.s32 @p2 $0x1082  }
0x22: {  	[simem:s7], [sflag:s8] =	dma.local @!p0 [hbm:s6], $0xF7A  }
0x23: {  	s9 =	sor.u32 $0xD0000000, s2;
	s6 =	simm.s32 $0x108;
	_ =	swait.ge @!p0 [sflag:s8], $0x0  }
0x24: {  	s3 =	sadd.s32 $0x88, s3;
	s6 =	simm.s32 @!p1 $0x1082;
	[sflag:s4] =	ssyncset.s32 $0xFFFFF086  }
0x25: {  	[simem:s6], [sflag:s4] =	dma.local [hbm:s3], $0xF7A  }
0x26: {  	[smem:$0x3F99] =	sst s1;
	(tag) =	ssettag s2;
	_ =	strace s9  }
0x27: {  	s1 =	sld [smem:$0x3FA9]  }
0x28: {  	s2 =	sld [smem:$0x3FAA]  }
0x29: {  	s4 =	sld [smem:$0x3FAC]  }
0x2a: {  	p0 =	seq.s32 s5, $0x0;
	s5 =	sld [smem:$0x3FAD]  }
0x2b: {  	s6 =	sld [smem:$0x3FAE]  }
0x2c: {  	s7 =	sld [smem:$0x3FAF]  }
0x2d: {  	s3 =	simm.s32 $0x108;
	s8 =	sld [smem:$0x3FB0]  }
0x2e: {  	s3 =	simm.s32 @!p0 $0x1082;
	s9 =	sld [smem:$0x3FB1]  }
0x2f: {  	lr =	sadd.s32 s0, s3;
	s0 =	sld [smem:$0x3FA8]  }
0x30: {  	s3 =	sld [smem:$0x3FAB]  }
0x31: {  	[smem:$0x3FB4] =	sst s10  }
0x32: {  	s10 =	sld [smem:$0x3FB2];
	_ =	sdelay $0x3  }
0x33: {  	p0 =	seq.s32 s10, $0x1;
	s10 =	sld [smem:$0x3FB4];
	_ =	sdelay $0x3  }
0x34: {  	[smem:$0x3FB4] =	sst s10  }
0x35: {  	s10 =	sld [smem:$0x3FB3];
	_ =	sdelay $0x3  }
0x36: {  	p1 =	seq.s32 s10, $0x1;
	s10 =	sld [smem:$0x3FB4];
	_ =	sdelay $0x3  }
0x37: {  	[smem:$0x3FB4] =	sst s10  }
0x38: {  	s10 =	sld [smem:$0x3FB5]  }
0x39: {  	_ = 	snop;
	(pc) =	sbr.ind lr, $3  }
0x3a: {  	_ = 	snop  }
0x3b: {  	_ = 	snop  }
0x3c: {  	p2 =	seq.s32 s10, $0x1;
	s10 =	sld [smem:$0x3FB4]  }
0x3d: {  	_ =	shalt  }
0x3e: {  	_ =	shalt  }
0x3f: {  	_ =	shalt  }
0x40: {  	_ =	shalt  }
0x41: {  	_ =	shalt  }
0x42: {  	_ =	shalt  }
0x43: {  	_ =	shalt  }
0x44: {  	_ =	shalt  }
0x45: {  	_ =	shalt  }
0x46: {  	_ =	shalt  }
0x47: {  	_ =	shalt  }
0x48: {  	_ =	shalt  }
0x49: {  	_ =	shalt  }
0x4a: {  	_ =	shalt  }
0x4b: {  	_ =	shalt  }
0x4c: {  	_ =	shalt  }
0x4d: {  	_ =	shalt  }
0x4e: {  	_ =	shalt  }
0x4f: {  	_ =	shalt  }
0x50: {  	_ =	shalt  }
0x51: {  	_ =	shalt  }
0x52: {  	_ =	shalt  }
0x53: {  	_ =	shalt  }
0x54: {  	_ =	shalt  }
0x55: {  	_ =	shalt  }
0x56: {  	_ =	shalt  }
0x57: {  	_ =	shalt  }
0x58: {  	_ =	shalt  }
0x59: {  	_ =	shalt  }
0x5a: {  	_ =	shalt  }
0x5b: {  	_ =	shalt  }
0x5c: {  	_ =	shalt  }
0x5d: {  	_ =	shalt  }
0x5e: {  	_ =	shalt  }
0x5f: {  	_ =	shalt  }
0x60: {  	_ =	shalt  }
0x61: {  	_ =	shalt  }
0x62: {  	_ =	shalt  }
0x63: {  	_ =	shalt  }
0x64: {  	_ =	shalt  }
0x65: {  	_ =	shalt  }
0x66: {  	_ =	shalt  }
0x67: {  	_ =	shalt  }
0x68: {  	_ =	shalt  }
0x69: {  	_ =	shalt  }
0x6a: {  	_ =	shalt  }
0x6b: {  	_ =	shalt  }
0x6c: {  	_ =	shalt  }
0x6d: {  	_ =	shalt  }
0x6e: {  	_ =	shalt  }
0x6f: {  	_ =	shalt  }
0x70: {  	_ =	shalt  }
0x71: {  	_ =	shalt  }
0x72: {  	_ =	shalt  }
0x73: {  	_ =	shalt  }
0x74: {  	_ =	shalt  }
0x75: {  	_ =	shalt  }
0x76: {  	_ =	shalt  }
0x77: {  	_ =	shalt  }
0x78: {  	_ =	shalt  }
0x79: {  	_ =	shalt  }
0x7a: {  	_ =	shalt  }
0x7b: {  	_ =	shalt  }
0x7c: {  	_ =	shalt  }
0x7d: {  	_ =	shalt  }
0x7e: {  	_ =	shalt  }
0x7f: {  	_ =	shalt  }
0x80: {  	_ =	shalt  }
0x81: {  	_ =	shalt  }
0x82: {  	_ =	shalt  }
0x83: {  	_ =	shalt  }
0x84: {  	_ =	shalt  }
0x85: {  	_ =	shalt  }
0x86: {  	_ =	shalt  }
0x87: {  	_ =	shalt  }
.Lfunc_end0:
.L_simem_size_0:
called_computation.1_lowered:
.L_overlay_start_0:
0x88: {  	s2 =	sld [smem:$0x3FD9]  }
0x89: {  	s3 =	sld [smem:$0x3FFE];
	_ =	sdelay $0x1  }
0x8a: {  	s1 =	srdreg.scid  }
0x8b: {  	s0 =	sand.u32 $0x1, s1  }
0x8c: {  	s17 =	sshll.u32 s0, $0xA;
	s2 =	sadd.s32 s3, s2  }
0x8d: {  	s2 =	sadd.s32 s2, s17  }
0x8e: {  	[smem:$0x3FC0] =	sst s2  }
0x8f: {  	_ = 	snop  }
0x90: {  	s2 =	sld [smem:$0x3FD0];
	(tm) =	ssettm $0x1  }
0x91: {  	s18 =	sld [smem:$0x3FFB];
	_ =	sdelay $0x3  }
0x92: {  	_ =	strace s18  }
0x93: {  	s3 =	sld [smem:$0x3FFC];
	_ =	sdelay $0x3  }
0x94: {  	_ =	strace s3  }
0x95: {  	s3 =	sld [smem:$0x3FFD];
	_ =	sdelay $0x3  }
0x96: {  	_ =	strace s3  }
0x97: {  	_ =	strace $0x8FFFFFFF  }
0x98: {  	s19 =	sld [smem:$0x3FDB];
	_ =	sdelay $0x1  }
0x99: {  	s4 =	simm.s32 $_scs_section_size  }
0x9a: {  	s5 =	simm.s32 $_size__tile_overlayer_lowered;
	s6 =	simm.s32 $_tile_overlayer_lowered  }
0x9b: {  	s22 =	simm.s32 $0x1BFF;
	s21 =	sshll.u32 s6, $0x1;
	s3 =	sadd.s32 s4, s19  }
0x9c: {  	s7 =	simm.s32 $0x0;
	s20 =	sshll.u32 s5, $0x1;
	s5 =	sadd.s32 s21, s3  }
0x9d: {  	[timem:s7], [sflag:s22] =	dma.local [hbm:s5], s20  }
0x9e: {  	_ =	swait.ge [sflag:s22], s20  }
0x9f: {  	s4 =	ssub.s32 $0x0, s20;
	[sflag:s22] =	ssyncset.done $0x0  }
0xa0: {  	[sflag:s22] =	ssyncadd.s32 s4;
	_ =	sdelay $0x1  }
0xa1: {  	s23 =	simm.s32 $0x1B8B  }
0xa2: {  	_ =	swait.ge [sflag:s23], $0x1  }
0xa3: {  	[sflag:s23] =	ssyncset.done $0x0  }
0xa4: {  	s25 =	simm.s32 $0x1B8E;
	s24 =	sld [smem:$0x3FFE];
	[sflag:s23] =	ssyncadd.s32 $0xFFFFFFFF  }
0xa5: {  	s26 =	simm.s32 $execute0_lowered;
	[smem:$0x3FD2] =	sst s25  }
0xa6: {  	s5 =	sshll.u32 s26, $0x1;
	_ =	strace $0x80000049;
	[dreg:$0x1] =	wrdreg $0xFFFFFFFF  }
0xa7: {  	s28 =	simm.s32 $_size_execute0_lowered;
	s3 =	sadd.s32 s3, s5;
	[dreg:$0x0] =	wrdreg $0x0  }
0xa8: {  	s5 =	sshll.u32 s28, $0x1;
	[dreg:$0x2] =	wrdreg s3  }
0xa9: {  	[dreg:$0x3] =	wrdreg s5  }
0xaa: {  	[dreg:$0x4] =	wrdreg $0xC0  }
0xab: {  	_ =	task [dreg:s7], $0x5FFFF  }
0xac: {  	[dreg:$0x1] =	wrdreg $0xFFFFFFFF  }
0xad: {  	[dreg:$0x0] =	wrdreg $0x60  }
0xae: {  	[dreg:$0x2] =	wrdreg s2  }
0xaf: {  	[dreg:$0x3] =	wrdreg s24  }
0xb0: {  	[dreg:$0x4] =	wrdreg $0x0  }
0xb1: {  	[dreg:$0x5] =	wrdreg $0x140000  }
0xb2: {  	[dreg:$0x6] =	wrdreg $0x9  }
0xb3: {  	_ =	task.clear_ibuf [dreg:s7], $0x7FFFF;
	_ =	strace $0x90000049  }
0xb4: {  	s29 =	simm.s32 $0x9;
	_ =	strace $0x8000004B  }
0xb5: {  	_ =	swait.ge [sflag:s29], $0x1  }
0xb6: {  	[sflag:s29] =	ssyncadd.s32 $0xFFFFFFFF  }
0xb7: {  	_ =	strace $0x9000004B  }
0xb8: {  	_ =	sfence  }
0xb9: {  	s30 =	sld [smem:$0x0];
	_ =	sdelay $0x2  }
0xba: {  	s31 =	sshll.u32 s1, $0xD;
	s1 =	sshrl.u32 s1, $0x2  }
0xbb: {  	s3 =	sand.u32 $0x4000, s31;
	s1 =	sadd.s32 s1, s30  }
0xbc: {  	s0 =	sor.u32 s3, s0;
	s1 =	sshll.u32 s1, $0x11  }
0xbd: {  	s0 =	sor.u32 s1, s0  }
0xbe: {  	s0 =	sadd.s32 $0x8F2B, s0  }
0xbf: {  	[sflag:s0] =	ssyncadd.remote.s32 $0x1  }
0xc0: {  	_ =	sfence.sel $0xFFFF  }
0xc1: {  	[dreg:$0x0] =	wrdreg $0xFFFFFFFF;
	(pc) =	sbr.abs _section_cstart, $3  }
0xc2: {  	[dreg:$0x1] =	wrdreg $0xFFFFFFFF  }
0xc3: {  	_ =	task.clear_ibuf [dreg:s7], $0x2FFFF;
	_ =	strace $0x9FFFFFFF  }
0xc4: {  	(tm) =	ssettm $0x7FFFFFFF  }
0xc5: {  	_ =	shalt  }
tec
execute0_lowered:
.L_overlay_start_1:
0x0: {  	(tag) =	ssettag $0x1  }
0x1: {  	s1 =	rddreg [dreg:$0x0]  }
0x2: {  	s0 =	rddreg [dreg:$0x1]  }
0x3: {  	s3 =	rddreg [dreg:$0x2]  }
0x4: {  	s2 =	rddreg [dreg:$0x3]  }
0x5: {  	s4 =	srdreg.scid;
	s11 =	stileid.u32  }
0x6: {  	s28 =	simm.s32 $0x14700;
	s29 =	simm.s32 $0x4;
	s6 =	smul.u32 $0x98, s11  }
0x7: {  	s30 =	simm.s32 $0x14400;
	s31 =	simm.s32 $0x14780;
	s15 =	smul.u32 $0x14000, s11  }
0x8: {  	s12 =	simm.s32 $0x0;
	s5 =	sand.u32 $0x1, s4;
	s9 =	smul.u32 $0x50000, s11  }
0x9: {  	s14 =	sshll.u32 s11, $0x3;
	s4 =	simm.s32 $0x0;
	s17 =	smul.u32 $0xA00, s11  }
0xa: {  	s11 =	simm.s32 $0x14A00;
	p0 =	seq.s32 s5, $0x0;
	s7 =	sor.u32 $0x980, s14  }
0xb: {  	s8 =	smul.u32 $0x140000, s5;
	[smem:$0x7FF] =	sst s4;
	s16 =	ssub.s32 $0x2, s5  }
0xc: {  	s7 =	smov.u32 @p0 s6;
	_ =	strace $0x8000004A;
	s9 =	sshrl.u32 s9, $0x2  }
0xd: {  	s10 =	sshrl.u32 s16, $0x1;
	s22 =	sshrl.u32 s17, $0x2;
	p0 =	sne.s32 s5, $0x0  }
0xe: {  	s17 =	simm.s32 $0x14800;
	s7 =	sshll.u32 s7, $0x4;
	s6 =	sadd.s32 s15, s8  }
0xf: {  	s14 =	sadd.s32 s9, s3;
	s18 =	ssub.s32 s16, s10;
	s2 =	sadd.s32 s22, s2  }
0x10: {  	s15 =	simm.s32 $0x14A80;
	s16 =	simm.s32 $0x5;
	s22 =	simm.s32 $0x18A80  }
0x11: {  	s8 =	simm.s32 $0x14900;
	s9 =	simm.s32 $0x14600;
	[dreg:$0xa] =	wrdreg s2  }
0x12: {  	s10 =	simm.s32 $0x14980;
	s19 =	sadd.s32 $0x4000, s14;
	[dreg:$0x5] =	wrdreg s14  }
0x13: {  	s7 =	sadd.s32 s7, s0;
	s20 =	sadd.s32 $0x8000, s14;
	[dreg:$0x6] =	wrdreg s19  }
0x14: {  	s6 =	sshrl.u32 s6, $0x3;
	s21 =	sadd.s32 $0xC000, s14;
	[dreg:$0x7] =	wrdreg s20  }
0x15: {  	s23 =	sadd.s32 $0x10000, s14;
	s24 =	smax.u32 s18, $0x1;
	[dreg:$0x8] =	wrdreg s21  }
0x16: {  	s18 =	simm.s32 $0x14280;
	s2 =	simm.s32 $0x14500;
	[dreg:$0x9] =	wrdreg s23  }
0x17: {  	s0 =	sadd.s32 s6, s0;
	[dreg:$0xc] =	wrdreg s24;
	s25 =	sadd.s32 $0x2000, s7  }
0x18: {  	s26 =	sadd.s32 $0xC000, s7;
	s19 =	simm.s32 $0x14680;
	s20 =	simm.s32 $0x80  }
0x19: {  	s21 =	simm.s32 $0x14300;
	s23 =	simm.s32 $0x1;
	s24 =	simm.s32 $0x2  }
0x1a: {  	s6 =	simm.s32 $0x14880;
	s7 =	simm.s32 $0x14580;
	[dreg:$0xd] =	wrdreg s25  }
0x1b: {  	s0 =	sadd.s32 $0x16000, s0;
	[dreg:$0xe] =	wrdreg s26;
	s25 =	simm.s32 $0x3  }
0x1c: {  	v0 =	vimm.f32 $0.0e+00;
	v1 =	vimm.f32 $1.000000000e+00;
	s26 =	simm.s32 $0x14380;
	[dreg:$0xb] =	wrdreg s0;
	s0 =	simm.s32 $0x14480  }
.LBB2_1:
0x1d: {  	[dreg:$0xf] =	wrdreg s12;
	s5 =	simm.s32 $0x0;
	s13 =	simm.s32 $0x200  }
.LBB2_2:
0x1e: {  	p1 =	sne.s32 s13, $0xFE00;
	[tilespmem:s5+$0x14AF0] =	vst v0  }
0x1f: {  	[tilespmem:s5+$0x14A80] =	vst v0  }
0x20: {  	[tilespmem:s5+$0x14A90] =	vst v0  }
.Ltmp0:
0x21: {  	[tilespmem:s5+$0x14AA0] =	vst v0;
	(pc) =	sbr.rel @p1 .LBB2_2-.Ltmp0, $4  }
0x22: {  	[tilespmem:s5+$0x14AB0] =	vst v0  }
0x23: {  	[tilespmem:s5+$0x14AC0] =	vst v0  }
0x24: {  	[tilespmem:s5+$0x14AD0] =	vst v0  }
0x25: {  	[tilespmem:s5+$0x14AE0] =	vst v0;
	s5 =	sshra.s32 s13, $0x2;
	s13 =	sadd.s32 $0x200, s13  }
0x26: {  	[tilespmem:s5+$0x14AF0] =	vst v0  }
0x27: {  	[tilespmem:s5+$0x14A80] =	vst v0  }
0x28: {  	[tilespmem:s5+$0x14A90] =	vst v0  }
0x29: {  	[tilespmem:s5+$0x14AA0] =	vst v0  }
0x2a: {  	[tilespmem:s5+$0x14AB0] =	vst v0  }
0x2b: {  	[tilespmem:s5+$0x14AC0] =	vst v0  }
0x2c: {  	[tilespmem:s5+$0x14AD0] =	vst v0  }
0x2d: {  	[tilespmem:s5+$0x14AE0] =	vst v0  }
0x2e: {  	[tilespmem:$0x1CA80] =	vst v1  }
0x2f: {  	[tilespmem:$0x1CA90] =	vst v1  }
0x30: {  	[tilespmem:$0x1CAA0] =	vst v1  }
0x31: {  	[tilespmem:$0x1CAB0] =	vst v1  }
0x32: {  	[tilespmem:$0x1CAC0] =	vst v1  }
0x33: {  	[tilespmem:$0x1CAD0] =	vst v1  }
0x34: {  	[tilespmem:$0x1CAE0] =	vst v1  }
0x35: {  	[tilespmem:$0x1CAF0] =	vst v1  }
0x36: {  	[tilespmem:$0x1CB00] =	vst v0  }
0x37: {  	[tilespmem:$0x1CB10] =	vst v0  }
0x38: {  	[tilespmem:$0x1CB20] =	vst v0  }
0x39: {  	[tilespmem:$0x1CB30] =	vst v0  }
0x3a: {  	[tilespmem:$0x1CB40] =	vst v0  }
0x3b: {  	[tilespmem:$0x1CB50] =	vst v0  }
0x3c: {  	[tilespmem:$0x1CB60] =	vst v0  }
0x3d: {  	[tilespmem:$0x1CB70] =	vst v0  }
0x3e: {  	[tilespmem:$0x1CB80] =	vst v0  }
0x3f: {  	[tilespmem:$0x1CB90] =	vst v0  }
0x40: {  	[tilespmem:$0x1CBA0] =	vst v0  }
0x41: {  	[tilespmem:$0x1CBB0] =	vst v0  }
0x42: {  	[tilespmem:$0x1CBC0] =	vst v0  }
0x43: {  	[tilespmem:$0x1CBD0] =	vst v0  }
0x44: {  	[tilespmem:$0x1CBE0] =	vst v0  }
0x45: {  	[tilespmem:$0x1CBF0] =	vst v0  }
0x46: {  	[tilespmem:$0x1CC00] =	vst v0  }
0x47: {  	[tilespmem:$0x1CC10] =	vst v0  }
0x48: {  	[tilespmem:$0x1CC20] =	vst v0  }
0x49: {  	[tilespmem:$0x1CC30] =	vst v0  }
0x4a: {  	[tilespmem:$0x1CC40] =	vst v0  }
0x4b: {  	[tilespmem:$0x1CC50] =	vst v0  }
0x4c: {  	[tilespmem:$0x1CC60] =	vst v0  }
0x4d: {  	[tilespmem:$0x1CC70] =	vst v0  }
0x4e: {  	[tilespmem:$0x1CC80] =	vst v0  }
0x4f: {  	[tilespmem:$0x1CC90] =	vst v0  }
0x50: {  	[tilespmem:$0x1CCA0] =	vst v0  }
0x51: {  	[tilespmem:$0x1CCB0] =	vst v0  }
0x52: {  	[tilespmem:$0x1CCC0] =	vst v0  }
0x53: {  	[tilespmem:$0x1CCD0] =	vst v0  }
0x54: {  	[tilespmem:$0x1CCE0] =	vst v0  }
0x55: {  	[tilespmem:$0x1CCF0] =	vst v0  }
0x56: {  	[tilespmem:$0x1CD00] =	vst v0  }
0x57: {  	[tilespmem:$0x1CD10] =	vst v0  }
0x58: {  	[tilespmem:$0x1CD20] =	vst v0  }
0x59: {  	[tilespmem:$0x1CD30] =	vst v0  }
0x5a: {  	[tilespmem:$0x1CD40] =	vst v0  }
0x5b: {  	[tilespmem:$0x1CD50] =	vst v0  }
0x5c: {  	[tilespmem:$0x1CD60] =	vst v0  }
0x5d: {  	[tilespmem:$0x1CD70] =	vst v0  }
0x5e: {  	[spmem:s14] =	stream.linear.scatter [tilespmem:s15], [sflag:$0x5], $0x4000, $0x38;
	[tilespmem:$0x1CD80] =	vst v63  }
0x5f: {  	_ =	swait.ge [sflag:s16], $0x4000  }
0x60: {  	[sflag:s16] =	ssyncset.done $0x0  }
0x61: {  	s13 =	rddreg [dreg:$0x6];
	[sflag:s16] =	ssyncadd.s32 $0xFFFFC000  }
0x62: {  	[spmem:s13] =	stream.linear.scatter [tilespmem:s15], [sflag:$0x5], $0x4000, $0x38;
	[tilespmem:$0x1CD80] =	vst v63  }
0x63: {  	_ =	swait.ge [sflag:s16], $0x4000  }
0x64: {  	[sflag:s16] =	ssyncset.done $0x0  }
0x65: {  	s14 =	rddreg [dreg:$0x7];
	[sflag:s16] =	ssyncadd.s32 $0xFFFFC000  }
0x66: {  	[spmem:s14] =	stream.linear.scatter [tilespmem:s15], [sflag:$0x5], $0x4000, $0x38;
	[tilespmem:$0x1CD80] =	vst v63  }
0x67: {  	_ =	swait.ge [sflag:s16], $0x4000  }
0x68: {  	[sflag:s16] =	ssyncset.done $0x0  }
0x69: {  	s12 =	rddreg [dreg:$0x8];
	[sflag:s16] =	ssyncadd.s32 $0xFFFFC000  }
0x6a: {  	[spmem:s12] =	stream.linear.scatter [tilespmem:s15], [sflag:$0x5], $0x4000, $0x38;
	[tilespmem:$0x1CD80] =	vst v63  }
0x6b: {  	_ =	swait.ge [sflag:s16], $0x4000  }
0x6c: {  	[sflag:s16] =	ssyncset.done $0x0  }
0x6d: {  	s13 =	rddreg [dreg:$0x9];
	[sflag:s16] =	ssyncadd.s32 $0xFFFFC000  }
0x6e: {  	[spmem:s13] =	stream.linear.scatter [tilespmem:s15], [sflag:$0x5], $0x4000, $0x38;
	[tilespmem:$0x1CD80] =	vst v63  }
0x6f: {  	_ =	swait.ge [sflag:s16], $0x4000  }
0x70: {  	[sflag:s16] =	ssyncset.done $0x0  }
0x71: {  	s12 =	simm.s32 $0x1CB00;
	s14 =	rddreg [dreg:$0xa];
	[sflag:s16] =	ssyncadd.s32 $0xFFFFC000  }
0x72: {  	[spmem:s14] =	stream.linear.scatter [tilespmem:s12], [sflag:$0x5], $0x280, $0x38;
	[tilespmem:$0x1CD80] =	vst v63  }
0x73: {  	_ =	swait.ge [sflag:s16], $0x280  }
0x74: {  	[sflag:s16] =	ssyncset.done $0x0  }
0x75: {  	[sflag:s16] =	ssyncadd.s32 $0xFFFFFD80  }
0x76: {  	[bflag:$0x0] =	sbarrier.arrive $0xFFFF  }
0x77: {  	s14 =	rddreg [dreg:$0xe]  }
0x78: {  	s5 =	simm.s32 $0x0;
	s13 =	rddreg [dreg:$0xd]  }
.LBB2_4:
0x79: {  	[tilespmem:s18], [sflag:$0x5] =	stream.linear.gather [hbm4b:s14+s4], $0x400, $0x38;
	[tilespmem:$0x1CD80] =	vst v63  }
0x7a: {  	_ =	swait.ge [sflag:s16], $0x400  }
0x7b: {  	[sflag:s16] =	ssyncset.done $0x0  }
0x7c: {  	[sflag:s16] =	ssyncadd.s32 $0xFFFFFC00  }
0x7d: {  	[tilespmem:s19], [sflag:$0x5] =	stream.linear.gather [hbm4b:s13+s4], $0x400, $0x38;
	[tilespmem:$0x1CD80] =	vst v63  }
0x7e: {  	_ =	swait.ge [sflag:s16], $0x400  }
0x7f: {  	[sflag:s16] =	ssyncset.done $0x0  }
0x80: {  	[sflag:s16] =	ssyncadd.s32 $0xFFFFFC00  }
0x81: {  	[tilespmem:s15], [sflag:$0x1] =	stream.indirect.gather [hbm4b:s1+s20], $0x80, s18, s20, $0xb8;
	[tilespmem:$0x1CD80] =	vst v63  }
0x82: {  	_ = 	snop  }
0x83: {  	[tilespmem:s22], [sflag:$0x2] =	stream.indirect.gather [hbm4b:s1+s20], $0x80, s21, s20, $0xb8;
	[tilespmem:$0x1CD80] =	vst v63  }
0x84: {  	_ =	swait.ge [sflag:s23], $0x4000  }
0x85: {  	[sflag:s23] =	ssyncset.done $0x0  }
0x86: {  	[sflag:s23] =	ssyncadd.s32 $0xFFFFC000  }
0x87: {  	[spmem:s3] =	stream.indirect.scatter.add.f32 [tilespmem:s15], [sflag:$0x3], $0x80, s19, s20, $0xb8;
	[tilespmem:$0x1CD80] =	vst v63  }
0x88: {  	_ =	swait.ge [sflag:s24], $0x4000  }
0x89: {  	[sflag:s24] =	ssyncset.done $0x0  }
0x8a: {  	[sflag:s24] =	ssyncadd.s32 $0xFFFFC000  }
0x8b: {  	_ =	swait.ge [sflag:s25], $0x4000  }
0x8c: {  	[sflag:s25] =	ssyncset.done $0x0  }
0x8d: {  	[sflag:s25] =	ssyncadd.s32 $0xFFFFC000  }
0x8e: {  	[tilespmem:s15], [sflag:$0x1] =	stream.indirect.gather [hbm4b:s1+s20], $0x80, s26, s20, $0xb8;
	[tilespmem:$0x1CD80] =	vst v63  }
0x8f: {  	_ = 	snop  }
0x90: {  	[spmem:s3] =	stream.indirect.scatter.add.f32 [tilespmem:s22], [sflag:$0x4], $0x80, s28, s20, $0xb8;
	[tilespmem:$0x1CD80] =	vst v63  }
0x91: {  	_ =	swait.ge [sflag:s29], $0x4000  }
0x92: {  	[sflag:s29] =	ssyncset.done $0x0  }
0x93: {  	[sflag:s29] =	ssyncadd.s32 $0xFFFFC000  }
0x94: {  	[tilespmem:s22], [sflag:$0x2] =	stream.indirect.gather [hbm4b:s1+s20], $0x80, s30, s20, $0xb8;
	[tilespmem:$0x1CD80] =	vst v63  }
0x95: {  	_ =	swait.ge [sflag:s23], $0x4000  }
0x96: {  	[sflag:s23] =	ssyncset.done $0x0  }
0x97: {  	[sflag:s23] =	ssyncadd.s32 $0xFFFFC000  }
0x98: {  	[spmem:s3] =	stream.indirect.scatter.add.f32 [tilespmem:s15], [sflag:$0x3], $0x80, s31, s20, $0xb8;
	[tilespmem:$0x1CD80] =	vst v63  }
0x99: {  	_ =	swait.ge [sflag:s24], $0x4000  }
0x9a: {  	[sflag:s24] =	ssyncset.done $0x0  }
0x9b: {  	[sflag:s24] =	ssyncadd.s32 $0xFFFFC000  }
0x9c: {  	_ =	swait.ge [sflag:s25], $0x4000  }
0x9d: {  	[sflag:s25] =	ssyncset.done $0x0  }
0x9e: {  	[sflag:s25] =	ssyncadd.s32 $0xFFFFC000  }
0x9f: {  	[tilespmem:s15], [sflag:$0x1] =	stream.indirect.gather [hbm4b:s1+s20], $0x80, s0, s20, $0xb8;
	[tilespmem:$0x1CD80] =	vst v63  }
0xa0: {  	_ = 	snop  }
0xa1: {  	[spmem:s3] =	stream.indirect.scatter.add.f32 [tilespmem:s22], [sflag:$0x4], $0x80, s17, s20, $0xb8;
	[tilespmem:$0x1CD80] =	vst v63  }
0xa2: {  	_ =	swait.ge [sflag:s29], $0x4000  }
0xa3: {  	[sflag:s29] =	ssyncset.done $0x0  }
0xa4: {  	[sflag:s29] =	ssyncadd.s32 $0xFFFFC000  }
0xa5: {  	[tilespmem:s22], [sflag:$0x2] =	stream.indirect.gather [hbm4b:s1+s20], $0x80, s2, s20, $0xb8;
	[tilespmem:$0x1CD80] =	vst v63  }
0xa6: {  	_ =	swait.ge [sflag:s23], $0x4000  }
0xa7: {  	[sflag:s23] =	ssyncset.done $0x0  }
0xa8: {  	[sflag:s23] =	ssyncadd.s32 $0xFFFFC000  }
0xa9: {  	[spmem:s3] =	stream.indirect.scatter.add.f32 [tilespmem:s15], [sflag:$0x3], $0x80, s6, s20, $0xb8;
	[tilespmem:$0x1CD80] =	vst v63  }
0xaa: {  	_ =	swait.ge [sflag:s24], $0x4000  }
0xab: {  	[sflag:s24] =	ssyncset.done $0x0  }
0xac: {  	[sflag:s24] =	ssyncadd.s32 $0xFFFFC000  }
0xad: {  	_ =	swait.ge [sflag:s25], $0x4000  }
0xae: {  	[sflag:s25] =	ssyncset.done $0x0  }
0xaf: {  	[sflag:s25] =	ssyncadd.s32 $0xFFFFC000  }
0xb0: {  	[tilespmem:s15], [sflag:$0x1] =	stream.indirect.gather [hbm4b:s1+s20], $0x80, s7, s20, $0xb8;
	[tilespmem:$0x1CD80] =	vst v63  }
0xb1: {  	_ = 	snop  }
0xb2: {  	[spmem:s3] =	stream.indirect.scatter.add.f32 [tilespmem:s22], [sflag:$0x4], $0x80, s8, s20, $0xb8;
	[tilespmem:$0x1CD80] =	vst v63  }
0xb3: {  	_ =	swait.ge [sflag:s29], $0x4000  }
0xb4: {  	[sflag:s29] =	ssyncset.done $0x0  }
0xb5: {  	[sflag:s29] =	ssyncadd.s32 $0xFFFFC000  }
0xb6: {  	[tilespmem:s22], [sflag:$0x2] =	stream.indirect.gather [hbm4b:s1+s20], $0x80, s9, s20, $0xb8;
	[tilespmem:$0x1CD80] =	vst v63  }
0xb7: {  	_ =	swait.ge [sflag:s23], $0x4000  }
0xb8: {  	[sflag:s23] =	ssyncset.done $0x0  }
0xb9: {  	[sflag:s23] =	ssyncadd.s32 $0xFFFFC000  }
0xba: {  	[spmem:s3] =	stream.indirect.scatter.add.f32 [tilespmem:s15], [sflag:$0x3], $0x80, s10, s20, $0xb8;
	[tilespmem:$0x1CD80] =	vst v63  }
0xbb: {  	_ =	swait.ge [sflag:s24], $0x4000  }
0xbc: {  	[sflag:s24] =	ssyncset.done $0x0  }
0xbd: {  	p1 =	slt.u32 @!p0 s5, $0x12;
	[sflag:s24] =	ssyncadd.s32 $0xFFFFC000  }
0xbe: {  	[spmem:s3] =	stream.indirect.scatter.add.f32 [tilespmem:s22], [sflag:$0x4], $0x80, s11, s20, $0xb8;
	[tilespmem:$0x1CD80] =	vst v63  }
0xbf: {  	p1 =	por p0, !p1;
	_ =	swait.ge [sflag:s25], $0x4000  }
.Ltmp1:
0xc0: {  	[sflag:s25] =	ssyncset.done $0x0;
	(pc) =	sbr.rel @!p1 .LBB2_4-.Ltmp1, $4  }
0xc1: {  	[sflag:s25] =	ssyncadd.s32 $0xFFFFC000  }
0xc2: {  	_ =	swait.ge [sflag:s29], $0x4000  }
0xc3: {  	s5 =	sadd.s32 $0x1, s5;
	[sflag:s29] =	ssyncset.done $0x0  }
0xc4: {  	s14 =	sadd.s32 $0x80, s14;
	s13 =	sadd.s32 $0x80, s13;
	[sflag:s29] =	ssyncadd.s32 $0xFFFFC000  }
0xc5: {  	s5 =	stileid.u32;
	[bflag:$0x0] =	sbarrier.arrive $0xFFFF  }
0xc6: {  	s5 =	sshll.u32 s5, $0x6;
	s14 =	rddreg [dreg:$0x5]  }
0xc7: {  	s12 =	rddreg [dreg:$0xb];
	s5 =	sor.u32 $0x1C05, s5;
	s13 =	sshrl.u32 s14, $0x3  }
0xc8: {  	[hbm:s12], [sflag:s5] =	dma.local [spmem:s13], $0x2800  }
0xc9: {  	_ =	swait.ge [sflag:s16], $0x2800  }
0xca: {  	s5 =	rddreg [dreg:$0xf]  }
0xcb: {  	s13 =	rddreg [dreg:$0xc];
	s12 =	sadd.s32 $0x1, s5  }
0xcc: {  	p1 =	sne.s32 s12, s13  }
.Ltmp2:
0xcd: {  	_ = 	snop;
	(pc) =	sbr.rel @p1 .LBB2_1-.Ltmp2, $3  }
0xce: {  	_ =	sdelay $0x1  }
0xcf: {  	[sflag:s16] =	ssyncset.done $0x0  }
0xd0: {  	[sflag:s16] =	ssyncadd.s32 $0xFFFFD800  }
0xd1: {  	_ =	sfence.sel $0x180000  }
0xd2: {  	[bflag:$0x0] =	sbarrier.arrive $0xFFFF  }
0xd3: {  	_ =	strace $0x9000004A  }
0xd4: {  	s0 =	stileid.u32;
	[bflag:$0x2] =	sbarrier.arrive $0xFFFF  }
0xd5: {  	p0 =	sne.s32 s0, $0x0;
	s0 =	rddreg [dreg:$0x4]  }
0xd6: {  	s0 =	sadd.s32 @!p0 $0x100000, s0  }
0xd7: {  	[sflag:s0] =	ssyncadd.tile.s32 @!p0 $0x1;
	_ =	shalt  }
.Lfunc_end2:
_tile_overlayer_lowered:
.L_overlay_start_2:
0xd8: {  	(tag) =	ssettag $0x2  }
0xd9: {  	s0 =	rddreg [dreg:$0x0];
	s2 =	stileid.u32  }
0xda: {  	s1 =	rddreg [dreg:$0x1];
	p0 =	sne.s32 s2, $0x0  }
0xdb: {  	s3 =	rddreg [dreg:$0x2];
	[bflag:$0x3] =	sbarrier.arrive $0xFFFF;
	s2 =	simm.s32 @!p0 $0x1C05  }
0xdc: {  	[timem:s3], [sflag:s2] =	dma.local @!p0 [hbm:s0], s1  }
0xdd: {  	s0 =	simm.s32 @!p0 $0x5  }
0xde: {  	_ =	swait.ge @!p0 [sflag:s0], s1  }
0xdf: {  	s1 =	ssub.s32 @!p0 $0x0, s1;
	[sflag:s0] =	ssyncset.done @!p0 $0x0  }
0xe0: {  	[sflag:s0] =	ssyncadd.s32 @!p0 s1  }
0xe1: {  	[bflag:$0x3] =	sbarrier.arrive $0xFFFF  }
0xe2: {  	_ =	shalt  }

// kernel: sc_segment_mean_cnt.3.cloned.1.call-start
scs
__scs_entry_jumppad:
0x0: {  	(pc) =	sbr.rel $0x88, $3  }
0x1: {  	(tag) =	ssettag $0x0;
	lr =	simm.s32 $0x1  }
0x2: {  	[smem:$0x3F99] =	sst lr;
	_ =	strace $0xD0000000  }
0x3: {  	_ = 	snop  }
0x4: {  	_ = 	snop  }
0x5: {  	_ = 	snop  }
0x6: {  	_ = 	snop  }
0x7: {  	_ = 	snop  }
__scs_overlays_trampoline_lowered:
0x8: {  	[smem:$0x3FA8] =	sst s0  }
0x9: {  	[smem:$0x3FA9] =	sst s1  }
0xa: {  	[smem:$0x3FAA] =	sst s2  }
0xb: {  	[smem:$0x3FAB] =	sst s3  }
0xc: {  	[smem:$0x3FAC] =	sst s4  }
0xd: {  	[smem:$0x3FAD] =	sst s5  }
0xe: {  	[smem:$0x3FAE] =	sst s6  }
0xf: {  	[smem:$0x3FAF] =	sst s7  }
0x10: {  	[smem:$0x3FB0] =	sst s8  }
0x11: {  	[smem:$0x3FB1] =	sst s9;
	s0 =	simm.s32 @!p0 $0x0  }
0x12: {  	s1 =	sld [smem:$0x3F97];
	s0 =	simm.s32 @p0 $0x1  }
0x13: {  	[smem:$0x3FB2] =	sst s0;
	s0 =	simm.s32 @!p1 $0x0  }
0x14: {  	s2 =	sld [smem:$0x3F96];
	s0 =	simm.s32 @p1 $0x1  }
0x15: {  	[smem:$0x3FB3] =	sst s0;
	s0 =	simm.s32 @!p2 $0x0  }
0x16: {  	s3 =	sld [smem:$0x3FDB];
	s0 =	simm.s32 @p2 $0x1  }
0x17: {  	s4 =	simm.s32 $0x1BF5;
	[smem:$0x3FB5] =	sst s0  }
0x18: {  	s0 =	sld [smem:$0x3F98];
	_ =	swait.ge [sflag:s4], $0x0  }
0x19: {  	s7 =	sld [smem:$0x3F99]  }
0x1a: {  	s8 =	sadd.s32 $0xFFFFE003, lr  }
0x1b: {  	s9 =	sadd.s32 $0xFFFFFEF7, lr;
	s5 =	simm.s32 $0xFFFFFFFF;
	p2 =	slt.u32 s8, $0xFFFFF086  }
0x1c: {  	p1 =	slt.u32 s9, $0xF7A;
	s5 =	simm.s32 @!p2 $0x0  }
0x1d: {  	s5 =	simm.s32 @p1 $0x1;
	p0 =	seq.s32 s7, s2  }
0x1e: {  	s7 =	smul.u32 @!p0 $0xF7A, s2;
	p2 =	seq.s32 @!p0 s5, $0x0  }
0x1f: {  	s9 =	smul.u32 $0xF7A, s1;
	s8 =	simm.s32 @!p0 $0x1BF5;
	p2 =	por !p2, p0  }
0x20: {  	[sflag:s8] =	ssyncset.s32 @!p0 $0xFFFFF086;
	s6 =	sadd.s32 @!p0 s3, s7;
	s7 =	simm.s32 @!p0 $0x108  }
0x21: {  	s3 =	sadd.s32 s3, s9;
	s6 =	sadd.s32 @!p0 $0x88, s6;
	s7 =	simm.s32 @p2 $0x1082  }
0x22: {  	[simem:s7], [sflag:s8] =	dma.local @!p0 [hbm:s6], $0xF7A  }
0x23: {  	s9 =	sor.u32 $0xD0000000, s2;
	s6 =	simm.s32 $0x108;
	_ =	swait.ge @!p0 [sflag:s8], $0x0  }
0x24: {  	s3 =	sadd.s32 $0x88, s3;
	s6 =	simm.s32 @!p1 $0x1082;
	[sflag:s4] =	ssyncset.s32 $0xFFFFF086  }
0x25: {  	[simem:s6], [sflag:s4] =	dma.local [hbm:s3], $0xF7A  }
0x26: {  	[smem:$0x3F99] =	sst s1;
	(tag) =	ssettag s2;
	_ =	strace s9  }
0x27: {  	s1 =	sld [smem:$0x3FA9]  }
0x28: {  	s2 =	sld [smem:$0x3FAA]  }
0x29: {  	s4 =	sld [smem:$0x3FAC]  }
0x2a: {  	p0 =	seq.s32 s5, $0x0;
	s5 =	sld [smem:$0x3FAD]  }
0x2b: {  	s6 =	sld [smem:$0x3FAE]  }
0x2c: {  	s7 =	sld [smem:$0x3FAF]  }
0x2d: {  	s3 =	simm.s32 $0x108;
	s8 =	sld [smem:$0x3FB0]  }
0x2e: {  	s3 =	simm.s32 @!p0 $0x1082;
	s9 =	sld [smem:$0x3FB1]  }
0x2f: {  	lr =	sadd.s32 s0, s3;
	s0 =	sld [smem:$0x3FA8]  }
0x30: {  	s3 =	sld [smem:$0x3FAB]  }
0x31: {  	[smem:$0x3FB4] =	sst s10  }
0x32: {  	s10 =	sld [smem:$0x3FB2];
	_ =	sdelay $0x3  }
0x33: {  	p0 =	seq.s32 s10, $0x1;
	s10 =	sld [smem:$0x3FB4];
	_ =	sdelay $0x3  }
0x34: {  	[smem:$0x3FB4] =	sst s10  }
0x35: {  	s10 =	sld [smem:$0x3FB3];
	_ =	sdelay $0x3  }
0x36: {  	p1 =	seq.s32 s10, $0x1;
	s10 =	sld [smem:$0x3FB4];
	_ =	sdelay $0x3  }
0x37: {  	[smem:$0x3FB4] =	sst s10  }
0x38: {  	s10 =	sld [smem:$0x3FB5]  }
0x39: {  	_ = 	snop;
	(pc) =	sbr.ind lr, $3  }
0x3a: {  	_ = 	snop  }
0x3b: {  	_ = 	snop  }
0x3c: {  	p2 =	seq.s32 s10, $0x1;
	s10 =	sld [smem:$0x3FB4]  }
0x3d: {  	_ =	shalt  }
0x3e: {  	_ =	shalt  }
0x3f: {  	_ =	shalt  }
0x40: {  	_ =	shalt  }
0x41: {  	_ =	shalt  }
0x42: {  	_ =	shalt  }
0x43: {  	_ =	shalt  }
0x44: {  	_ =	shalt  }
0x45: {  	_ =	shalt  }
0x46: {  	_ =	shalt  }
0x47: {  	_ =	shalt  }
0x48: {  	_ =	shalt  }
0x49: {  	_ =	shalt  }
0x4a: {  	_ =	shalt  }
0x4b: {  	_ =	shalt  }
0x4c: {  	_ =	shalt  }
0x4d: {  	_ =	shalt  }
0x4e: {  	_ =	shalt  }
0x4f: {  	_ =	shalt  }
0x50: {  	_ =	shalt  }
0x51: {  	_ =	shalt  }
0x52: {  	_ =	shalt  }
0x53: {  	_ =	shalt  }
0x54: {  	_ =	shalt  }
0x55: {  	_ =	shalt  }
0x56: {  	_ =	shalt  }
0x57: {  	_ =	shalt  }
0x58: {  	_ =	shalt  }
0x59: {  	_ =	shalt  }
0x5a: {  	_ =	shalt  }
0x5b: {  	_ =	shalt  }
0x5c: {  	_ =	shalt  }
0x5d: {  	_ =	shalt  }
0x5e: {  	_ =	shalt  }
0x5f: {  	_ =	shalt  }
0x60: {  	_ =	shalt  }
0x61: {  	_ =	shalt  }
0x62: {  	_ =	shalt  }
0x63: {  	_ =	shalt  }
0x64: {  	_ =	shalt  }
0x65: {  	_ =	shalt  }
0x66: {  	_ =	shalt  }
0x67: {  	_ =	shalt  }
0x68: {  	_ =	shalt  }
0x69: {  	_ =	shalt  }
0x6a: {  	_ =	shalt  }
0x6b: {  	_ =	shalt  }
0x6c: {  	_ =	shalt  }
0x6d: {  	_ =	shalt  }
0x6e: {  	_ =	shalt  }
0x6f: {  	_ =	shalt  }
0x70: {  	_ =	shalt  }
0x71: {  	_ =	shalt  }
0x72: {  	_ =	shalt  }
0x73: {  	_ =	shalt  }
0x74: {  	_ =	shalt  }
0x75: {  	_ =	shalt  }
0x76: {  	_ =	shalt  }
0x77: {  	_ =	shalt  }
0x78: {  	_ =	shalt  }
0x79: {  	_ =	shalt  }
0x7a: {  	_ =	shalt  }
0x7b: {  	_ =	shalt  }
0x7c: {  	_ =	shalt  }
0x7d: {  	_ =	shalt  }
0x7e: {  	_ =	shalt  }
0x7f: {  	_ =	shalt  }
0x80: {  	_ =	shalt  }
0x81: {  	_ =	shalt  }
0x82: {  	_ =	shalt  }
0x83: {  	_ =	shalt  }
0x84: {  	_ =	shalt  }
0x85: {  	_ =	shalt  }
0x86: {  	_ =	shalt  }
0x87: {  	_ =	shalt  }
.Lfunc_end0:
.L_simem_size_0:
called_computation_lowered:
.L_overlay_start_0:
0x88: {  	s2 =	sld [smem:$0x3FD9]  }
0x89: {  	s3 =	sld [smem:$0x3FFE];
	_ =	sdelay $0x1  }
0x8a: {  	s1 =	srdreg.scid  }
0x8b: {  	s0 =	sand.u32 $0x1, s1  }
0x8c: {  	s17 =	sshll.u32 s0, $0xA;
	s2 =	sadd.s32 s3, s2  }
0x8d: {  	s2 =	sadd.s32 s2, s17  }
0x8e: {  	[smem:$0x3FC0] =	sst s2  }
0x8f: {  	_ = 	snop  }
0x90: {  	s2 =	sld [smem:$0x3FC9]  }
0x91: {  	s18 =	sld [smem:$0x3FD0];
	(tm) =	ssettm $0x1  }
0x92: {  	s4 =	sld [smem:$0x3FFB];
	_ =	sdelay $0x3  }
0x93: {  	_ =	strace s4  }
0x94: {  	s4 =	sld [smem:$0x3FFC];
	_ =	sdelay $0x3  }
0x95: {  	_ =	strace s4  }
0x96: {  	s4 =	sld [smem:$0x3FFD];
	_ =	sdelay $0x3  }
0x97: {  	_ =	strace s4  }
0x98: {  	_ =	strace $0x8FFFFFFF  }
0x99: {  	s19 =	sld [smem:$0x3FDB];
	_ =	sdelay $0x1  }
0x9a: {  	s5 =	simm.s32 $_scs_section_size  }
0x9b: {  	s6 =	simm.s32 $_size__tile_overlayer_lowered;
	s7 =	simm.s32 $_tile_overlayer_lowered  }
0x9c: {  	s22 =	simm.s32 $0x1BFF;
	s21 =	sshll.u32 s7, $0x1;
	s4 =	sadd.s32 s5, s19  }
0x9d: {  	s8 =	simm.s32 $0x0;
	s20 =	sshll.u32 s6, $0x1;
	s6 =	sadd.s32 s21, s4  }
0x9e: {  	[timem:s8], [sflag:s22] =	dma.local [hbm:s6], s20  }
0x9f: {  	_ =	swait.ge [sflag:s22], s20  }
0xa0: {  	s5 =	ssub.s32 $0x0, s20;
	[sflag:s22] =	ssyncset.done $0x0  }
0xa1: {  	[sflag:s22] =	ssyncadd.s32 s5;
	_ =	sdelay $0x1  }
0xa2: {  	s23 =	simm.s32 $0x1B8B  }
0xa3: {  	_ =	swait.ge [sflag:s23], $0x1  }
0xa4: {  	[sflag:s23] =	ssyncset.done $0x0  }
0xa5: {  	s25 =	simm.s32 $0x1B8E;
	s24 =	sld [smem:$0x3FFE];
	[sflag:s23] =	ssyncadd.s32 $0xFFFFFFFF  }
0xa6: {  	s26 =	simm.s32 $execute0_lowered;
	[smem:$0x3FD2] =	sst s25  }
0xa7: {  	s6 =	sshll.u32 s26, $0x1;
	_ =	strace $0x80000046;
	[dreg:$0x1] =	wrdreg $0xFFFFFFFF  }
0xa8: {  	s28 =	simm.s32 $_size_execute0_lowered;
	s4 =	sadd.s32 s4, s6;
	[dreg:$0x0] =	wrdreg $0x0  }
0xa9: {  	s6 =	sshll.u32 s28, $0x1;
	[dreg:$0x2] =	wrdreg s4  }
0xaa: {  	[dreg:$0x3] =	wrdreg s6  }
0xab: {  	[dreg:$0x4] =	wrdreg $0xC0  }
0xac: {  	_ =	task [dreg:s8], $0x5FFFF  }
0xad: {  	[dreg:$0x1] =	wrdreg $0xFFFFFFFF  }
0xae: {  	[dreg:$0x0] =	wrdreg $0x60  }
0xaf: {  	[dreg:$0x2] =	wrdreg s2  }
0xb0: {  	[dreg:$0x3] =	wrdreg s24  }
0xb1: {  	[dreg:$0x4] =	wrdreg s18  }
0xb2: {  	[dreg:$0x5] =	wrdreg $0x0  }
0xb3: {  	[dreg:$0x6] =	wrdreg $0x140000  }
0xb4: {  	[dreg:$0x7] =	wrdreg $0x9  }
0xb5: {  	_ =	task.clear_ibuf [dreg:s8], $0x8FFFF;
	_ =	strace $0x90000046  }
0xb6: {  	s29 =	simm.s32 $0x9;
	_ =	strace $0x80000048  }
0xb7: {  	_ =	swait.ge [sflag:s29], $0x1  }
0xb8: {  	[sflag:s29] =	ssyncadd.s32 $0xFFFFFFFF  }
0xb9: {  	_ =	strace $0x90000048  }
0xba: {  	_ =	sfence  }
0xbb: {  	s30 =	sld [smem:$0x0];
	_ =	sdelay $0x2  }
0xbc: {  	s31 =	sshll.u32 s1, $0xD;
	s1 =	sshrl.u32 s1, $0x2  }
0xbd: {  	s3 =	sand.u32 $0x4000, s31;
	s1 =	sadd.s32 s1, s30  }
0xbe: {  	s0 =	sor.u32 s3, s0;
	s1 =	sshll.u32 s1, $0x11  }
0xbf: {  	s0 =	sor.u32 s1, s0  }
0xc0: {  	s0 =	sadd.s32 $0x8F2B, s0  }
0xc1: {  	[sflag:s0] =	ssyncadd.remote.s32 $0x1  }
0xc2: {  	_ =	sfence.sel $0xFFFF  }
0xc3: {  	[dreg:$0x0] =	wrdreg $0xFFFFFFFF;
	(pc) =	sbr.abs _section_cstart, $3  }
0xc4: {  	[dreg:$0x1] =	wrdreg $0xFFFFFFFF  }
0xc5: {  	_ =	task.clear_ibuf [dreg:s8], $0x2FFFF;
	_ =	strace $0x9FFFFFFF  }
0xc6: {  	(tm) =	ssettm $0x7FFFFFFF  }
0xc7: {  	_ =	shalt  }
tec
execute0_lowered:
.L_overlay_start_1:
0x0: {  	(tag) =	ssettag $0x1  }
0x1: {  	s0 =	rddreg [dreg:$0x0]  }
0x2: {  	s1 =	rddreg [dreg:$0x1]  }
0x3: {  	s2 =	rddreg [dreg:$0x2]  }
0x4: {  	s3 =	rddreg [dreg:$0x3];
	s12 =	stileid.u32  }
0x5: {  	s5 =	srdreg.scid;
	s7 =	smul.u32 $0x98, s12  }
0x6: {  	s4 =	rddreg [dreg:$0x4];
	s30 =	simm.s32 $0x0;
	s10 =	smul.u32 $0x14000, s12  }
0x7: {  	s28 =	simm.s32 $0x2;
	s29 =	simm.s32 $0x3;
	s14 =	smul.u32 $0x50000, s12  }
0x8: {  	s31 =	simm.s32 $0x14280;
	s6 =	sand.u32 $0x1, s5;
	s17 =	smul.u32 $0x500, s12  }
0x9: {  	s9 =	sshll.u32 s12, $0x3;
	[smem:$0x7FF] =	sst s30;
	s8 =	smul.u32 $0x140000, s6  }
0xa: {  	p0 =	seq.s32 s6, $0x0;
	s9 =	sor.u32 $0x980, s9;
	_ =	strace $0x80000047  }
0xb: {  	s15 =	ssub.s32 $0x2, s6;
	s20 =	sshll.u32 s6, $0x7;
	s9 =	smov.u32 @p0 s7  }
0xc: {  	s16 =	sshrl.u32 s15, $0x1;
	p0 =	sne.s32 s6, $0x0;
	s11 =	sadd.s32 s10, s8  }
0xd: {  	s13 =	sshll.u32 s9, $0x4;
	s9 =	sshrl.u32 s14, $0x2;
	s14 =	simm.s32 $0x14500  }
0xe: {  	s10 =	simm.s32 $0x14800;
	s7 =	sshrl.u32 s11, $0x3;
	s8 =	sadd.s32 s13, s1  }
0xf: {  	s11 =	smul.u32 $0xA00, s12;
	s13 =	sadd.s32 s9, s3;
	s9 =	sor.u32 s20, s17  }
0x10: {  	s17 =	simm.s32 $0x14A80;
	s12 =	simm.s32 $0x14480;
	s20 =	simm.s32 $0x0  }
0x11: {  	s1 =	sadd.s32 s7, s1;
	s7 =	ssub.s32 s15, s16;
	s18 =	sadd.s32 $0x4000, s13  }
0x12: {  	s19 =	sadd.s32 $0x8000, s13;
	s21 =	sadd.s32 $0xC000, s13;
	[dreg:$0x6] =	wrdreg s13  }
0x13: {  	s22 =	sadd.s32 $0x10000, s13;
	s9 =	sshrl.u32 s9, $0x3;
	[dreg:$0x7] =	wrdreg s18  }
0x14: {  	s26 =	sadd.s32 $0x2000, s8;
	s30 =	sadd.s32 $0xC000, s8;
	[dreg:$0x8] =	wrdreg s19  }
0x15: {  	s8 =	simm.s32 $0x14780;
	s15 =	simm.s32 $0x14900;
	[dreg:$0x9] =	wrdreg s21  }
0x16: {  	s16 =	simm.s32 $0x14600;
	s11 =	sshrl.u32 s11, $0x2;
	[dreg:$0xa] =	wrdreg s22  }
0x17: {  	s1 =	sadd.s32 $0x16000, s1;
	s24 =	sadd.s32 s2, s9;
	[dreg:$0xf] =	wrdreg s26  }
0x18: {  	s25 =	smax.u32 s7, $0x1;
	[dreg:$0x10] =	wrdreg s30;
	s18 =	simm.s32 $0x6  }
0x19: {  	s21 =	simm.s32 $0x14680;
	s22 =	simm.s32 $0x80;
	s26 =	simm.s32 $0x1CA80  }
0x1a: {  	s2 =	simm.s32 $0x4;
	s19 =	simm.s32 $0x14980;
	[dreg:$0xc] =	wrdreg s1  }
0x1b: {  	s7 =	simm.s32 $0x14A00;
	s23 =	sadd.s32 s11, s4;
	[dreg:$0xd] =	wrdreg s24  }
0x1c: {  	[dreg:$0xe] =	wrdreg s25;
	s24 =	simm.s32 $0x18A80;
	s25 =	simm.s32 $0x1  }
0x1d: {  	v0 =	vimm.f32 $0.0e+00;
	v1 =	vimm.f32 $1.000000000e+00;
	s11 =	simm.s32 $0x5;
	s1 =	simm.s32 $0x0;
	[dreg:$0xb] =	wrdreg s23  }
.LBB2_1:
0x1e: {  	[dreg:$0x11] =	wrdreg s1;
	s6 =	simm.s32 $0x0;
	s23 =	simm.s32 $0x200  }
.LBB2_2:
0x1f: {  	p1 =	sne.s32 s23, $0xFE00;
	[tilespmem:s6+$0x14AF0] =	vst v0  }
0x20: {  	[tilespmem:s6+$0x14A80] =	vst v0  }
0x21: {  	[tilespmem:s6+$0x14A90] =	vst v0  }
.Ltmp0:
0x22: {  	[tilespmem:s6+$0x14AA0] =	vst v0;
	(pc) =	sbr.rel @p1 .LBB2_2-.Ltmp0, $4  }
0x23: {  	[tilespmem:s6+$0x14AB0] =	vst v0  }
0x24: {  	[tilespmem:s6+$0x14AC0] =	vst v0  }
0x25: {  	[tilespmem:s6+$0x14AD0] =	vst v0  }
0x26: {  	[tilespmem:s6+$0x14AE0] =	vst v0;
	s6 =	sshra.s32 s23, $0x2;
	s23 =	sadd.s32 $0x200, s23  }
0x27: {  	[tilespmem:s6+$0x14AF0] =	vst v0  }
0x28: {  	[tilespmem:s6+$0x14A80] =	vst v0  }
0x29: {  	[tilespmem:s6+$0x14A90] =	vst v0  }
0x2a: {  	[tilespmem:s6+$0x14AA0] =	vst v0  }
0x2b: {  	[tilespmem:s6+$0x14AB0] =	vst v0  }
0x2c: {  	[tilespmem:s6+$0x14AC0] =	vst v0  }
0x2d: {  	[tilespmem:s6+$0x14AD0] =	vst v0  }
0x2e: {  	[tilespmem:s6+$0x14AE0] =	vst v0  }
0x2f: {  	[tilespmem:$0x1CA80] =	vst v1  }
0x30: {  	[tilespmem:$0x1CA90] =	vst v1  }
0x31: {  	[tilespmem:$0x1CAA0] =	vst v1  }
0x32: {  	[tilespmem:$0x1CAB0] =	vst v1  }
0x33: {  	[tilespmem:$0x1CAC0] =	vst v1  }
0x34: {  	[tilespmem:$0x1CAD0] =	vst v1  }
0x35: {  	[tilespmem:$0x1CAE0] =	vst v1  }
0x36: {  	[tilespmem:$0x1CAF0] =	vst v1  }
0x37: {  	[tilespmem:$0x1CB00] =	vst v0  }
0x38: {  	[tilespmem:$0x1CB10] =	vst v0  }
0x39: {  	[tilespmem:$0x1CB20] =	vst v0  }
0x3a: {  	[tilespmem:$0x1CB30] =	vst v0  }
0x3b: {  	[tilespmem:$0x1CB40] =	vst v0  }
0x3c: {  	[tilespmem:$0x1CB50] =	vst v0  }
0x3d: {  	[tilespmem:$0x1CB60] =	vst v0  }
0x3e: {  	[tilespmem:$0x1CB70] =	vst v0  }
0x3f: {  	[tilespmem:$0x1CB80] =	vst v0  }
0x40: {  	[tilespmem:$0x1CB90] =	vst v0  }
0x41: {  	[tilespmem:$0x1CBA0] =	vst v0  }
0x42: {  	[tilespmem:$0x1CBB0] =	vst v0  }
0x43: {  	[tilespmem:$0x1CBC0] =	vst v0  }
0x44: {  	[tilespmem:$0x1CBD0] =	vst v0  }
0x45: {  	[tilespmem:$0x1CBE0] =	vst v0  }
0x46: {  	[tilespmem:$0x1CBF0] =	vst v0  }
0x47: {  	[tilespmem:$0x1CC00] =	vst v0  }
0x48: {  	[tilespmem:$0x1CC10] =	vst v0  }
0x49: {  	[tilespmem:$0x1CC20] =	vst v0  }
0x4a: {  	[tilespmem:$0x1CC30] =	vst v0  }
0x4b: {  	[tilespmem:$0x1CC40] =	vst v0  }
0x4c: {  	[tilespmem:$0x1CC50] =	vst v0  }
0x4d: {  	[tilespmem:$0x1CC60] =	vst v0  }
0x4e: {  	[tilespmem:$0x1CC70] =	vst v0  }
0x4f: {  	[tilespmem:$0x1CC80] =	vst v0  }
0x50: {  	[tilespmem:$0x1CC90] =	vst v0  }
0x51: {  	[tilespmem:$0x1CCA0] =	vst v0  }
0x52: {  	[tilespmem:$0x1CCB0] =	vst v0  }
0x53: {  	[tilespmem:$0x1CCC0] =	vst v0  }
0x54: {  	[tilespmem:$0x1CCD0] =	vst v0  }
0x55: {  	[tilespmem:$0x1CCE0] =	vst v0  }
0x56: {  	[tilespmem:$0x1CCF0] =	vst v0  }
0x57: {  	[tilespmem:$0x1CD00] =	vst v0  }
0x58: {  	[tilespmem:$0x1CD10] =	vst v0  }
0x59: {  	[tilespmem:$0x1CD20] =	vst v0  }
0x5a: {  	[tilespmem:$0x1CD30] =	vst v0  }
0x5b: {  	[tilespmem:$0x1CD40] =	vst v0  }
0x5c: {  	[tilespmem:$0x1CD50] =	vst v0  }
0x5d: {  	[tilespmem:$0x1CD60] =	vst v0  }
0x5e: {  	[tilespmem:$0x1CD70] =	vst v0  }
0x5f: {  	[spmem:s13] =	stream.linear.scatter [tilespmem:s17], [sflag:$0x6], $0x4000, $0x38;
	[tilespmem:$0x1CD80] =	vst v63  }
0x60: {  	_ =	swait.ge [sflag:s18], $0x4000  }
0x61: {  	[sflag:s18] =	ssyncset.done $0x0  }
0x62: {  	s23 =	rddreg [dreg:$0x7];
	[sflag:s18] =	ssyncadd.s32 $0xFFFFC000  }
0x63: {  	[spmem:s23] =	stream.linear.scatter [tilespmem:s17], [sflag:$0x6], $0x4000, $0x38;
	[tilespmem:$0x1CD80] =	vst v63  }
0x64: {  	_ =	swait.ge [sflag:s18], $0x4000  }
0x65: {  	[sflag:s18] =	ssyncset.done $0x0  }
0x66: {  	s1 =	rddreg [dreg:$0x8];
	[sflag:s18] =	ssyncadd.s32 $0xFFFFC000  }
0x67: {  	[spmem:s1] =	stream.linear.scatter [tilespmem:s17], [sflag:$0x6], $0x4000, $0x38;
	[tilespmem:$0x1CD80] =	vst v63  }
0x68: {  	_ =	swait.ge [sflag:s18], $0x4000  }
0x69: {  	[sflag:s18] =	ssyncset.done $0x0  }
0x6a: {  	s5 =	rddreg [dreg:$0x9];
	[sflag:s18] =	ssyncadd.s32 $0xFFFFC000  }
0x6b: {  	[spmem:s5] =	stream.linear.scatter [tilespmem:s17], [sflag:$0x6], $0x4000, $0x38;
	[tilespmem:$0x1CD80] =	vst v63  }
0x6c: {  	_ =	swait.ge [sflag:s18], $0x4000  }
0x6d: {  	[sflag:s18] =	ssyncset.done $0x0  }
0x6e: {  	s9 =	rddreg [dreg:$0xa];
	[sflag:s18] =	ssyncadd.s32 $0xFFFFC000  }
0x6f: {  	[spmem:s9] =	stream.linear.scatter [tilespmem:s17], [sflag:$0x6], $0x4000, $0x38;
	[tilespmem:$0x1CD80] =	vst v63  }
0x70: {  	_ =	swait.ge [sflag:s18], $0x4000  }
0x71: {  	[sflag:s18] =	ssyncset.done $0x0  }
0x72: {  	s23 =	simm.s32 $0x1CB00;
	s13 =	rddreg [dreg:$0xb];
	[sflag:s18] =	ssyncadd.s32 $0xFFFFC000  }
0x73: {  	[spmem:s13] =	stream.linear.scatter [tilespmem:s23], [sflag:$0x6], $0x280, $0x38;
	[tilespmem:$0x1CD80] =	vst v63  }
0x74: {  	_ =	swait.ge [sflag:s18], $0x280  }
0x75: {  	[sflag:s18] =	ssyncset.done $0x0  }
0x76: {  	[sflag:s18] =	ssyncadd.s32 $0xFFFFFD80  }
0x77: {  	[bflag:$0x0] =	sbarrier.arrive $0xFFFF  }
0x78: {  	s30 =	simm.s32 $0x0;
	s1 =	simm.s32 $0x14700;
	s6 =	rddreg [dreg:$0x10]  }
0x79: {  	s5 =	simm.s32 $0x14580;
	s13 =	simm.s32 $0x14880;
	s23 =	rddreg [dreg:$0xf]  }
.LBB2_4:
0x7a: {  	[tilespmem:s31], [sflag:$0x6] =	stream.linear.gather [hbm4b:s6+s20], $0x400, $0x38;
	[tilespmem:$0x1CD80] =	vst v63  }
0x7b: {  	_ =	swait.ge [sflag:s18], $0x400  }
0x7c: {  	[sflag:s18] =	ssyncset.done $0x0  }
0x7d: {  	[sflag:s18] =	ssyncadd.s32 $0xFFFFFC00  }
0x7e: {  	[tilespmem:s21], [sflag:$0x6] =	stream.linear.gather [hbm4b:s23+s20], $0x400, $0x38;
	[tilespmem:$0x1CD80] =	vst v63  }
0x7f: {  	_ =	swait.ge [sflag:s18], $0x400  }
0x80: {  	[sflag:s18] =	ssyncset.done $0x0  }
0x81: {  	[sflag:s18] =	ssyncadd.s32 $0xFFFFFC00  }
0x82: {  	[tilespmem:s17], [sflag:$0x1] =	stream.indirect.gather [hbm4b:s0+s22], $0x80, s31, s22, $0xb8;
	[tilespmem:$0x1CD80] =	vst v63  }
0x83: {  	s9 =	simm.s32 $0x14300  }
0x84: {  	[tilespmem:s24], [sflag:$0x2] =	stream.indirect.gather [hbm4b:s0+s22], $0x80, s9, s22, $0xb8;
	[tilespmem:$0x1CD80] =	vst v63  }
0x85: {  	_ =	swait.ge [sflag:s25], $0x4000  }
0x86: {  	[sflag:s25] =	ssyncset.done $0x0  }
0x87: {  	[sflag:s25] =	ssyncadd.s32 $0xFFFFC000  }
0x88: {  	[spmem:s3] =	stream.indirect.scatter.add.f32 [tilespmem:s17], [sflag:$0x3], $0x80, s21, s22, $0xb8;
	[tilespmem:$0x1CD80] =	vst v63  }
0x89: {  	_ = 	snop  }
0x8a: {  	[spmem:s4] =	stream.indirect.scatter.add.f32 [tilespmem:s26], [sflag:$0x5], $0x1, s21, s22, $0xb8;
	[tilespmem:$0x1CD80] =	vst v63  }
0x8b: {  	_ =	swait.ge [sflag:s28], $0x4000  }
0x8c: {  	[sflag:s28] =	ssyncset.done $0x0  }
0x8d: {  	[sflag:s28] =	ssyncadd.s32 $0xFFFFC000  }
0x8e: {  	_ =	swait.ge [sflag:s29], $0x4000  }
0x8f: {  	[sflag:s29] =	ssyncset.done $0x0  }
0x90: {  	s9 =	simm.s32 $0x14380;
	[sflag:s29] =	ssyncadd.s32 $0xFFFFC000  }
0x91: {  	[tilespmem:s17], [sflag:$0x1] =	stream.indirect.gather [hbm4b:s0+s22], $0x80, s9, s22, $0xb8;
	[tilespmem:$0x1CD80] =	vst v63  }
0x92: {  	_ = 	snop  }
0x93: {  	[spmem:s3] =	stream.indirect.scatter.add.f32 [tilespmem:s24], [sflag:$0x4], $0x80, s1, s22, $0xb8;
	[tilespmem:$0x1CD80] =	vst v63  }
0x94: {  	_ = 	snop  }
0x95: {  	[spmem:s4] =	stream.indirect.scatter.add.f32 [tilespmem:s26], [sflag:$0x5], $0x1, s1, s22, $0xb8;
	[tilespmem:$0x1CD80] =	vst v63  }
0x96: {  	_ =	swait.ge [sflag:s2], $0x4000  }
0x97: {  	[sflag:s2] =	ssyncset.done $0x0  }
0x98: {  	s9 =	simm.s32 $0x14400;
	[sflag:s2] =	ssyncadd.s32 $0xFFFFC000  }
0x99: {  	[tilespmem:s24], [sflag:$0x2] =	stream.indirect.gather [hbm4b:s0+s22], $0x80, s9, s22, $0xb8;
	[tilespmem:$0x1CD80] =	vst v63  }
0x9a: {  	_ =	swait.ge [sflag:s25], $0x4000  }
0x9b: {  	[sflag:s25] =	ssyncset.done $0x0  }
0x9c: {  	[sflag:s25] =	ssyncadd.s32 $0xFFFFC000  }
0x9d: {  	[spmem:s3] =	stream.indirect.scatter.add.f32 [tilespmem:s17], [sflag:$0x3], $0x80, s8, s22, $0xb8;
	[tilespmem:$0x1CD80] =	vst v63  }
0x9e: {  	_ = 	snop  }
0x9f: {  	[spmem:s4] =	stream.indirect.scatter.add.f32 [tilespmem:s26], [sflag:$0x5], $0x1, s8, s22, $0xb8;
	[tilespmem:$0x1CD80] =	vst v63  }
0xa0: {  	_ =	swait.ge [sflag:s28], $0x4000  }
0xa1: {  	[sflag:s28] =	ssyncset.done $0x0  }
0xa2: {  	[sflag:s28] =	ssyncadd.s32 $0xFFFFC000  }
0xa3: {  	_ =	swait.ge [sflag:s29], $0x4000  }
0xa4: {  	[sflag:s29] =	ssyncset.done $0x0  }
0xa5: {  	[sflag:s29] =	ssyncadd.s32 $0xFFFFC000  }
0xa6: {  	[tilespmem:s17], [sflag:$0x1] =	stream.indirect.gather [hbm4b:s0+s22], $0x80, s12, s22, $0xb8;
	[tilespmem:$0x1CD80] =	vst v63  }
0xa7: {  	_ = 	snop  }
0xa8: {  	[spmem:s3] =	stream.indirect.scatter.add.f32 [tilespmem:s24], [sflag:$0x4], $0x80, s10, s22, $0xb8;
	[tilespmem:$0x1CD80] =	vst v63  }
0xa9: {  	_ = 	snop  }
0xaa: {  	[spmem:s4] =	stream.indirect.scatter.add.f32 [tilespmem:s26], [sflag:$0x5], $0x1, s10, s22, $0xb8;
	[tilespmem:$0x1CD80] =	vst v63  }
0xab: {  	_ =	swait.ge [sflag:s2], $0x4000  }
0xac: {  	[sflag:s2] =	ssyncset.done $0x0  }
0xad: {  	[sflag:s2] =	ssyncadd.s32 $0xFFFFC000  }
0xae: {  	[tilespmem:s24], [sflag:$0x2] =	stream.indirect.gather [hbm4b:s0+s22], $0x80, s14, s22, $0xb8;
	[tilespmem:$0x1CD80] =	vst v63  }
0xaf: {  	_ =	swait.ge [sflag:s25], $0x4000  }
0xb0: {  	[sflag:s25] =	ssyncset.done $0x0  }
0xb1: {  	[sflag:s25] =	ssyncadd.s32 $0xFFFFC000  }
0xb2: {  	[spmem:s3] =	stream.indirect.scatter.add.f32 [tilespmem:s17], [sflag:$0x3], $0x80, s13, s22, $0xb8;
	[tilespmem:$0x1CD80] =	vst v63  }
0xb3: {  	_ = 	snop  }
0xb4: {  	[spmem:s4] =	stream.indirect.scatter.add.f32 [tilespmem:s26], [sflag:$0x5], $0x1, s13, s22, $0xb8;
	[tilespmem:$0x1CD80] =	vst v63  }
0xb5: {  	_ =	swait.ge [sflag:s28], $0x4000  }
0xb6: {  	[sflag:s28] =	ssyncset.done $0x0  }
0xb7: {  	[sflag:s28] =	ssyncadd.s32 $0xFFFFC000  }
0xb8: {  	_ =	swait.ge [sflag:s29], $0x4000  }
0xb9: {  	[sflag:s29] =	ssyncset.done $0x0  }
0xba: {  	[sflag:s29] =	ssyncadd.s32 $0xFFFFC000  }
0xbb: {  	[tilespmem:s17], [sflag:$0x1] =	stream.indirect.gather [hbm4b:s0+s22], $0x80, s5, s22, $0xb8;
	[tilespmem:$0x1CD80] =	vst v63  }
0xbc: {  	_ = 	snop  }
0xbd: {  	[spmem:s3] =	stream.indirect.scatter.add.f32 [tilespmem:s24], [sflag:$0x4], $0x80, s15, s22, $0xb8;
	[tilespmem:$0x1CD80] =	vst v63  }
0xbe: {  	_ = 	snop  }
0xbf: {  	[spmem:s4] =	stream.indirect.scatter.add.f32 [tilespmem:s26], [sflag:$0x5], $0x1, s15, s22, $0xb8;
	[tilespmem:$0x1CD80] =	vst v63  }
0xc0: {  	_ =	swait.ge [sflag:s2], $0x4000  }
0xc1: {  	[sflag:s2] =	ssyncset.done $0x0  }
0xc2: {  	[sflag:s2] =	ssyncadd.s32 $0xFFFFC000  }
0xc3: {  	[tilespmem:s24], [sflag:$0x2] =	stream.indirect.gather [hbm4b:s0+s22], $0x80, s16, s22, $0xb8;
	[tilespmem:$0x1CD80] =	vst v63  }
0xc4: {  	_ =	swait.ge [sflag:s25], $0x4000  }
0xc5: {  	[sflag:s25] =	ssyncset.done $0x0  }
0xc6: {  	[sflag:s25] =	ssyncadd.s32 $0xFFFFC000  }
0xc7: {  	[spmem:s3] =	stream.indirect.scatter.add.f32 [tilespmem:s17], [sflag:$0x3], $0x80, s19, s22, $0xb8;
	[tilespmem:$0x1CD80] =	vst v63  }
0xc8: {  	_ = 	snop  }
0xc9: {  	[spmem:s4] =	stream.indirect.scatter.add.f32 [tilespmem:s26], [sflag:$0x5], $0x1, s19, s22, $0xb8;
	[tilespmem:$0x1CD80] =	vst v63  }
0xca: {  	_ =	swait.ge [sflag:s28], $0x4000  }
0xcb: {  	[sflag:s28] =	ssyncset.done $0x0  }
0xcc: {  	[sflag:s28] =	ssyncadd.s32 $0xFFFFC000  }
0xcd: {  	[spmem:s3] =	stream.indirect.scatter.add.f32 [tilespmem:s24], [sflag:$0x4], $0x80, s7, s22, $0xb8;
	[tilespmem:$0x1CD80] =	vst v63  }
0xce: {  	_ = 	snop  }
0xcf: {  	[spmem:s4] =	stream.indirect.scatter.add.f32 [tilespmem:s26], [sflag:$0x5], $0x1, s7, s22, $0xb8;
	[tilespmem:$0x1CD80] =	vst v63  }
0xd0: {  	_ =	swait.ge [sflag:s29], $0x4000  }
0xd1: {  	[sflag:s29] =	ssyncset.done $0x0  }
0xd2: {  	p1 =	slt.u32 @!p0 s30, $0x12;
	[sflag:s29] =	ssyncadd.s32 $0xFFFFC000  }
0xd3: {  	p1 =	por p0, !p1;
	_ =	swait.ge [sflag:s2], $0x4000  }
.Ltmp1:
0xd4: {  	[sflag:s2] =	ssyncset.done $0x0;
	(pc) =	sbr.rel @!p1 .LBB2_4-.Ltmp1, $4  }
0xd5: {  	[sflag:s2] =	ssyncadd.s32 $0xFFFFC000  }
0xd6: {  	_ =	swait.ge [sflag:s11], $0x400  }
0xd7: {  	s30 =	sadd.s32 $0x1, s30;
	[sflag:s11] =	ssyncset.done $0x0  }
0xd8: {  	s6 =	sadd.s32 $0x80, s6;
	s23 =	sadd.s32 $0x80, s23;
	[sflag:s11] =	ssyncadd.s32 $0xFFFFFC00  }
0xd9: {  	s6 =	stileid.u32;
	[bflag:$0x0] =	sbarrier.arrive $0xFFFF  }
0xda: {  	s6 =	sshll.u32 s6, $0x6;
	s13 =	rddreg [dreg:$0x6]  }
0xdb: {  	s30 =	rddreg [dreg:$0xc];
	s6 =	sor.u32 $0x1C06, s6;
	s23 =	sshrl.u32 s13, $0x3  }
0xdc: {  	[hbm:s30], [sflag:s6] =	dma.local [spmem:s23], $0x2800  }
0xdd: {  	_ =	swait.ge [sflag:s18], $0x2800  }
0xde: {  	s5 =	rddreg [dreg:$0xb]  }
0xdf: {  	s1 =	simm.s32 $0x20;
	[sflag:s18] =	ssyncset.done $0x0;
	s9 =	rddreg [dreg:$0xd]  }
0xe0: {  	[sflag:s18] =	ssyncadd.s32 $0xFFFFD800;
	s23 =	sshrl.u32 s5, $0x3;
	s5 =	simm.s32 $0x10  }
0xe1: {  	[hbm:s9@s1], [sflag:s6] =	dma.strided [spmem:s23@s5], $0x50, s25, $0x10   }
0xe2: {  	_ =	swait.ge [sflag:s18], $0x50  }
0xe3: {  	s23 =	rddreg [dreg:$0x11]  }
0xe4: {  	s30 =	rddreg [dreg:$0xe];
	s1 =	sadd.s32 $0x1, s23  }
0xe5: {  	p1 =	sne.s32 s1, s30  }
.Ltmp2:
0xe6: {  	_ = 	snop;
	(pc) =	sbr.rel @p1 .LBB2_1-.Ltmp2, $3  }
0xe7: {  	_ =	sdelay $0x1  }
0xe8: {  	[sflag:s18] =	ssyncset.done $0x0  }
0xe9: {  	[sflag:s18] =	ssyncadd.s32 $0xFFFFFFB0  }
0xea: {  	_ =	sfence.sel $0x180000  }
0xeb: {  	[bflag:$0x0] =	sbarrier.arrive $0xFFFF  }
0xec: {  	_ =	strace $0x90000047  }
0xed: {  	s0 =	stileid.u32;
	[bflag:$0x2] =	sbarrier.arrive $0xFFFF  }
0xee: {  	p0 =	sne.s32 s0, $0x0;
	s0 =	rddreg [dreg:$0x5]  }
0xef: {  	s0 =	sadd.s32 @!p0 $0x100000, s0  }
0xf0: {  	[sflag:s0] =	ssyncadd.tile.s32 @!p0 $0x1;
	_ =	shalt  }
.Lfunc_end2:
_tile_overlayer_lowered:
.L_overlay_start_2:
0xf1: {  	(tag) =	ssettag $0x2  }
0xf2: {  	s0 =	rddreg [dreg:$0x0];
	s2 =	stileid.u32  }
0xf3: {  	s1 =	rddreg [dreg:$0x1];
	p0 =	sne.s32 s2, $0x0  }
0xf4: {  	s3 =	rddreg [dreg:$0x2];
	[bflag:$0x3] =	sbarrier.arrive $0xFFFF;
	s2 =	simm.s32 @!p0 $0x1C06  }
0xf5: {  	[timem:s3], [sflag:s2] =	dma.local @!p0 [hbm:s0], s1  }
0xf6: {  	s0 =	simm.s32 @!p0 $0x6  }
0xf7: {  	_ =	swait.ge @!p0 [sflag:s0], s1  }
0xf8: {  	s1 =	ssub.s32 @!p0 $0x0, s1;
	[sflag:s0] =	ssyncset.done @!p0 $0x0  }
0xf9: {  	[sflag:s0] =	ssyncadd.s32 @!p0 s1  }
0xfa: {  	[bflag:$0x3] =	sbarrier.arrive $0xFFFF  }
0xfb: {  	_ =	shalt  }

</sc_bundles>
